<compile_context>
chip_gen: v7x
topology: tpu7x:2x2x1
jax: 0.10.2.dev20260603
libtpu: 0.0.44.dev20260713+nightly
codegen_flags: <defaults>
</compile_context>

<pallas_src>
import functools

import numpy as np
import jax
import jax.numpy as jnp
from jax import lax
from jax.experimental import pallas as pl
from jax.experimental.pallas import tpu as pltpu
from jax.experimental.pallas import tpu_sc as plsc

_EPS = 1e-10
_RSQRT_MAGIC = np.int32(0x5F3759DF)
_RECIP_MAGIC = np.int32(0x7EF311C3)


def _rsqrt16(x):
    y = plsc.bitcast(x, jnp.int32)
    y = _RSQRT_MAGIC - jnp.right_shift(y, 1)
    g = plsc.bitcast(y, jnp.float32)
    for _ in range(2):
        g = g * (1.5 - 0.5 * x * g * g)
    return g


def _recip16(x):
    y = _RECIP_MAGIC - plsc.bitcast(x, jnp.int32)
    g = plsc.bitcast(y, jnp.float32)
    for _ in range(2):
        g = g * (2.0 - x * g)
    return g


def _prologue_body(cand_ref, w1_ref, b1_ref, rdivt_ref, rmodt_ref, rmod_ref,
                   maski_ref, a_ref, c1b_ref):
    D = cand_ref.shape[1]
    f32 = jnp.float32
    w1c = w1_ref[0:D, :]
    w1b = w1_ref[D:2 * D, :]
    w1o = w1_ref[2 * D:, :]
    cand = cand_ref[...]
    c16 = jnp.dot(cand, rmod_ref[...], preferred_element_type=f32)
    repb = jnp.dot(rdivt_ref[...], c16, preferred_element_type=f32)
    e = repb * maski_ref[...]
    a_ref[...] = (jnp.dot(e, w1o, preferred_element_type=f32)
                  + jnp.dot(rmodt_ref[...], w1b, preferred_element_type=f32))
    c1b_ref[...] = jnp.dot(cand, w1c, preferred_element_type=f32) + b1_ref[...]


def _fold_weights(candidate_tensor, W1, b1):
    B, D = candidate_tensor.shape
    H = W1.shape[1]
    DD = D * D
    cols = jnp.arange(DD, dtype=jnp.int32)
    rows = jnp.arange(D, dtype=jnp.int32)
    r_div = (cols[None, :] // D == rows[:, None]).astype(jnp.float32)
    r_mod = (cols[None, :] % D == rows[:, None]).astype(jnp.float32)
    rr = jnp.arange(B * D, dtype=jnp.int32)
    maski = (rr[:, None] % D == cols[None, :] // D).astype(jnp.float32)
    return pl.pallas_call(
        _prologue_body,
        out_shape=[
            jax.ShapeDtypeStruct((B * D, H), jnp.float32),
            jax.ShapeDtypeStruct((B, H), jnp.float32),
        ],
    )(candidate_tensor, W1, b1.reshape(1, H), r_div.T, r_mod.T, r_mod, maski)


def _tc_body(cand_ref, beh_ref, rid_ref, w1_ref, b1_ref, alpha_ref, w2_ref,
             b2_ref, rdiv_ref, rmod_ref, out_ref):
    i = pl.program_id(0)
    TB, D = beh_ref.shape
    B = cand_ref.shape[0]
    H = w1_ref.shape[1]
    f32 = jnp.float32

    beh = beh_ref[...]
    r = rid_ref[...]
    bidx = lax.broadcasted_iota(jnp.int32, (TB, B), 1)
    P = (r == bidx).astype(f32)

    w1c = w1_ref[0:D, :]
    w1b = w1_ref[D:2 * D, :]
    w1o = w1_ref[2 * D:, :]

    cand = cand_ref[...]
    cand_tiled = jnp.dot(cand, rmod_ref[...], preferred_element_type=f32)
    c1b = jnp.dot(cand, w1c, preferred_element_type=f32) + b1_ref[...]

    xb = jnp.dot(beh, rdiv_ref[...], preferred_element_type=f32)
    xc = jnp.dot(P, cand_tiled, preferred_element_type=f32)
    outer = xb * xc
    h = (jnp.dot(outer, w1o, preferred_element_type=f32)
         + jnp.dot(beh, w1b, preferred_element_type=f32)
         + jnp.dot(P, c1b, preferred_element_type=f32))

    v_mean = jnp.full((H, H), 1.0 / H, f32)
    mean = jnp.dot(h, v_mean, preferred_element_type=f32)
    msq = jnp.dot(h * h, v_mean, preferred_element_type=f32)
    var = jnp.maximum(msq - mean * mean, 0.0) + _EPS
    inv2 = 0.5 * lax.rsqrt(var)
    th = jnp.tanh((h - mean) * inv2)
    alpha_v = alpha_ref[...]
    c0 = 0.5 * (1.0 + alpha_v)
    c1 = 0.5 * (1.0 - alpha_v)
    hd = h * (c0 + c1 * th)

    w = jnp.dot(hd, w2_ref[...], preferred_element_type=f32) + b2_ref[...]
    weighted = beh * w
    partial = lax.dot_general(P, weighted, (((0,), (0,)), ((), ())),
                              preferred_element_type=f32)

    @pl.when(i == 0)
    def _init():
        out_ref[...] = jnp.zeros_like(out_ref)

    out_ref[...] += partial


def _tc_part(candidate_tensor, behavior, rowids, W1, b1, alpha, W2, b2):
    T, D = behavior.shape
    B = candidate_tensor.shape[0]
    H = W1.shape[1]
    DD = D * D
    TB = 4096
    grid = T // TB

    rowids2 = rowids.reshape(T, 1)
    b1r = b1.reshape(1, H)
    alphar = alpha.reshape(1, H)
    w2rep = jnp.tile(W2.reshape(H, 1), (1, D))
    b2r = b2.reshape(1, 1)
    cols = jnp.arange(DD, dtype=jnp.int32)
    rows = jnp.arange(D, dtype=jnp.int32)
    r_div = (cols[None, :] // D == rows[:, None]).astype(jnp.float32)
    r_mod = (cols[None, :] % D == rows[:, None]).astype(jnp.float32)

    return pl.pallas_call(
        _tc_body,
        grid=(grid,),
        in_specs=[
            pl.BlockSpec((B, D), lambda i: (0, 0)),
            pl.BlockSpec((TB, D), lambda i: (i, 0)),
            pl.BlockSpec((TB, 1), lambda i: (i, 0)),
            pl.BlockSpec((D + D + DD, H), lambda i: (0, 0)),
            pl.BlockSpec((1, H), lambda i: (0, 0)),
            pl.BlockSpec((1, H), lambda i: (0, 0)),
            pl.BlockSpec((H, D), lambda i: (0, 0)),
            pl.BlockSpec((1, 1), lambda i: (0, 0)),
            pl.BlockSpec((D, DD), lambda i: (0, 0)),
            pl.BlockSpec((D, DD), lambda i: (0, 0)),
        ],
        out_specs=pl.BlockSpec((B, D), lambda i: (0, 0)),
        out_shape=jax.ShapeDtypeStruct((B, D), jnp.float32),
    )(candidate_tensor, behavior, rowids2, W1, b1r, alphar, w2rep, b2r,
      r_div, r_mod)


def _sc_body(beh_hbm, rid_hbm, a_hbm, c1b_hbm, c0_hbm, c1_hbm, w2_hbm,
             b2_hbm, out_hbm, beh_v, rid_v, a_v, c1b_v, c0_v, c1_v, w2_v,
             b2_v, h_v, acc_v):
    i32 = jnp.int32
    f32 = jnp.float32
    NC = 2
    TW = beh_v.shape[0] // 16
    NG = TW // 16

    wid = lax.axis_index("s") * NC + lax.axis_index("c")
    pltpu.sync_copy(beh_hbm.at[pl.ds(wid * (TW * 16), TW * 16)], beh_v)
    pltpu.sync_copy(rid_hbm.at[pl.ds(wid * TW, TW)], rid_v)
    pltpu.sync_copy(a_hbm, a_v)
    pltpu.sync_copy(c1b_hbm, c1b_v)
    pltpu.sync_copy(c0_hbm, c0_v)
    pltpu.sync_copy(c1_hbm, c1_v)
    pltpu.sync_copy(w2_hbm, w2_v)
    pltpu.sync_copy(b2_hbm, b2_v)

    for b in range(16):
        acc_v[pl.ds(b * 16, 16)] = jnp.zeros((16,), f32)

    lanes16 = lax.iota(i32, 16) * 16
    inv_h = 1.0 / 32.0

    def group(g, carry):
        off = g * 256
        r_vec = rid_v[pl.ds(g * 16, 16)]
        r32 = r_vec * 32
        r512 = r_vec * 512
        bt = [plsc.load_gather(beh_v, [lanes16 + (off + i)])
              for i in range(16)]

        def h_body(k, c):
            s, sq = c
            for j in range(2):
                hh = k * 2 + j
                chains = [plsc.load_gather(c1b_v, [r32 + hh])]
                chains += [
                    plsc.load_gather(a_v, [r512 + (i * 32 + hh)]) * bt[i]
                    for i in range(3)
                ]
                for i in range(3, 16):
                    c_id = (i - 3) & 3
                    chains[c_id] = chains[c_id] + plsc.load_gather(
                        a_v, [r512 + (i * 32 + hh)]) * bt[i]
                acc = (chains[0] + chains[1]) + (chains[2] + chains[3])
                h_v[pl.ds(hh * 16, 16)] = acc
                s = s + acc
                sq = sq + acc * acc
            return (s, sq)

        s, sq = lax.fori_loop(0, 16, h_body,
                              (jnp.zeros((16,), f32), jnp.zeros((16,), f32)))
        m = s * inv_h
        var = jnp.maximum(sq * inv_h - m * m, 0.0) + _EPS
        inv = _rsqrt16(var)
        invd = inv - _EPS * inv * inv

        def w_body(k, c):
            w0, w1 = c
            accs = []
            for j in range(2):
                hh = k * 2 + j
                hv = h_v[pl.ds(hh * 16, 16)]
                y = (hv - m) * invd
                p = _recip16(1.0 + jnp.exp(-y))
                c0r = c0_v[pl.ds(hh * 16, 16)]
                c1r = c1_v[pl.ds(hh * 16, 16)]
                w2r = w2_v[pl.ds(hh * 16, 16)]
                accs.append(hv * (c0r + c1r * p) * w2r)
            return (w0 + accs[0], w1 + accs[1])

        w0, w1 = lax.fori_loop(0, 16, w_body,
                               (b2_v[...], jnp.zeros((16,), f32)))
        wvec = w0 + w1
        r16 = r_vec * 16
        for i in range(16):
            plsc.addupdate_scatter(acc_v, [r16 + i], bt[i] * wvec)
        return carry

    lax.fori_loop(0, NG, group, 0)
    pltpu.sync_copy(acc_v, out_hbm.at[wid])


def kernel(candidate_tensor, behavior_flat_values, behavior_value_rowids, W1,
           b1, alpha, W2, b2):
    T, D = behavior_flat_values.shape
    B = candidate_tensor.shape[0]
    H = W1.shape[1]
    NW = 32
    T_SC = 8192
    TW = T_SC // NW

    a_flat, c1b = _fold_weights(candidate_tensor, W1, b1)

    c0 = jnp.tile(alpha.reshape(H, 1), (1, 16)).reshape(-1)
    c1 = jnp.tile((1.0 - alpha).reshape(H, 1), (1, 16)).reshape(-1)
    w2r = jnp.tile(W2.reshape(H, 1), (1, 16)).reshape(-1)
    b2r = jnp.tile(b2.reshape(1, 1), (1, 16)).reshape(-1)

    mesh = plsc.VectorSubcoreMesh(core_axis_name="c", subcore_axis_name="s",
                                  num_cores=2, num_subcores=16)
    partials = functools.partial(
        pl.kernel,
        out_type=jax.ShapeDtypeStruct((NW, B * D), jnp.float32),
        mesh=mesh,
        compiler_params=pltpu.CompilerParams(needs_layout_passes=False),
        scratch_types=[
            pltpu.VMEM((TW * D,), jnp.float32),
            pltpu.VMEM((TW,), jnp.int32),
            pltpu.VMEM((B * D * H,), jnp.float32),
            pltpu.VMEM((B * H,), jnp.float32),
            pltpu.VMEM((H * 16,), jnp.float32),
            pltpu.VMEM((H * 16,), jnp.float32),
            pltpu.VMEM((H * 16,), jnp.float32),
            pltpu.VMEM((16,), jnp.float32),
            pltpu.VMEM((H * 16,), jnp.float32),
            pltpu.VMEM((B * D,), jnp.float32),
        ],
    )(_sc_body)(
        behavior_flat_values[:T_SC].reshape(-1),
        behavior_value_rowids[:T_SC],
        a_flat.reshape(-1),
        c1b.reshape(-1),
        c0, c1, w2r, b2r,
    )
    tc_out = _tc_part(candidate_tensor, behavior_flat_values[T_SC:],
                      behavior_value_rowids[T_SC:], W1, b1, alpha, W2, b2)
    return partials.sum(axis=0).reshape(B, D) + tc_out

# --- scband reference (transcript-rebuilt; emitter-appended) ---
"""Pipeline reference for scband-attention-unit-layer-33440615367298 (READ-ONLY COPY).

The authoritative reference and input builder live on the scoring server;
editing this copy changes nothing except your own understanding.
"""

import jax, jax.numpy as jnp
import numpy as np

B, D, T, H = 16, 16, 32768, 32
EPS = 1e-10

def setup_inputs(seed: int = 0) -> dict:
    key = jax.random.key(seed)
    ks = jax.random.split(key, 8)
    candidate_tensor = jax.random.normal(ks[0], (B, D), dtype=jnp.float32)
    behavior_flat_values = jax.random.normal(ks[1], (T, D), dtype=jnp.float32)
    behavior_value_rowids = jnp.sort(jax.random.randint(ks[2], (T,), 0, B)).astype(jnp.int32)
    in_dim = D + D + D * D  # candidate + behavior + flattened outer product
    W1 = jax.random.normal(ks[3], (in_dim, H), dtype=jnp.float32) * 0.05
    b1 = jnp.zeros((H,), dtype=jnp.float32)
    alpha = jnp.zeros((H,), dtype=jnp.float32)  # Dice alpha, init 0 as in the layer
    W2 = jax.random.normal(ks[4], (H, 1), dtype=jnp.float32) * 0.05
    b2 = jnp.zeros((1,), dtype=jnp.float32)
    return {
        'candidate_tensor': candidate_tensor,
        'behavior_flat_values': behavior_flat_values,
        'behavior_value_rowids': behavior_value_rowids,
        'W1': W1, 'b1': b1, 'alpha': alpha, 'W2': W2, 'b2': b2,
    }

def _dice(x, alpha):
    mean = jnp.mean(x, axis=-1, keepdims=True)
    std = jnp.sqrt(jnp.mean(jnp.square(x - mean) + EPS, axis=-1, keepdims=True))
    p = jax.nn.sigmoid((x - mean) / (std + EPS))
    return alpha * (1.0 - p) * x + p * x

def reference(candidate_tensor, behavior_flat_values, behavior_value_rowids, W1, b1, alpha, W2, b2):
    rowids = behavior_value_rowids
    # embedding_lookup of candidate per behavior token (gather)
    cand_per_tok = jnp.take(candidate_tensor, rowids, axis=0)  # [T, D]
    # outer product: expand behavior on axis=2, candidate on axis=1 -> [T, D, D]
    outer = behavior_flat_values[:, :, None] * cand_per_tok[:, None, :]
    outer_flat = outer.reshape(-1, D * D)
    x = jnp.concatenate([cand_per_tok, behavior_flat_values, outer_flat], axis=1)  # [T, 288]
    h = x @ W1 + b1
    h = _dice(h, alpha)
    w = h @ W2 + b2  # [T, 1]
    weighted = behavior_flat_values * w  # broadcast [T, D]
    out = jax.ops.segment_sum(weighted, rowids, num_segments=B)  # [B, D]
    return out

if __name__ == "__main__":
    import jax
    _d = setup_inputs()
    print(jax.jit(kernel)(*tuple(_d.values())))

</pallas_src>

<mosaic_0001>
#map = affine_map<(d0, d1) -> (0)>
#map1 = affine_map<(d0, d1) -> (0, 0)>
module attributes {stable_mosaic.version = 14 : i64} {
  func.func @_sc_body(%arg0: i32, %arg1: i32, %arg2: memref<131072xf32, #tpu.memory_space<hbm>>, %arg3: memref<8192xi32, #tpu.memory_space<hbm>>, %arg4: memref<8192xf32, #tpu.memory_space<hbm>>, %arg5: memref<512xf32, #tpu.memory_space<hbm>>, %arg6: memref<512xf32, #tpu.memory_space<hbm>>, %arg7: memref<512xf32, #tpu.memory_space<hbm>>, %arg8: memref<512xf32, #tpu.memory_space<hbm>>, %arg9: memref<16xf32, #tpu.memory_space<hbm>>, %arg10: memref<32x256xf32, #tpu.memory_space<hbm>>, %arg11: memref<4096xf32, #tpu.memory_space<vmem>>, %arg12: memref<256xi32, #tpu.memory_space<vmem>>, %arg13: memref<8192xf32, #tpu.memory_space<vmem>>, %arg14: memref<512xf32, #tpu.memory_space<vmem>>, %arg15: memref<512xf32, #tpu.memory_space<vmem>>, %arg16: memref<512xf32, #tpu.memory_space<vmem>>, %arg17: memref<512xf32, #tpu.memory_space<vmem>>, %arg18: memref<16xf32, #tpu.memory_space<vmem>>, %arg19: memref<512xf32, #tpu.memory_space<vmem>>, %arg20: memref<256xf32, #tpu.memory_space<vmem>>) attributes {dimension_semantics = [#tpu.dimension_semantics<core_parallel>, #tpu.dimension_semantics<subcore_parallel>], iteration_bounds = array<i64: 2, 16>, scalar_prefetch = 0 : i64, scratch_operands = 10 : i64, tpu.core_type = #tpu.core_type<sc_vector_subcore>, window_params = [{transform_indices = #map}, {transform_indices = #map}, {transform_indices = #map}, {transform_indices = #map}, {transform_indices = #map}, {transform_indices = #map}, {transform_indices = #map}, {transform_indices = #map}, {transform_indices = #map1}]} {
    %mul3A = arith.constant 2 : i32
    %mul3A_0 = arith.muli %arg1, %mul3A : i32
    %add3A = arith.addi %mul3A_0, %arg0 : i32
    %mul3A_1 = arith.constant 4096 : i32
    %mul3A_2 = arith.muli %add3A, %mul3A_1 : i32
    "tpu.region"() ({
      %run_scoped3A = tpu.sem_alloc : memref<!tpu.dma_semaphore, #tpu.memory_space<semaphore_mem>>
      %dma_start3A = tpu.memref_slice %arg2[%mul3A_2] : memref<131072xf32, #tpu.memory_space<hbm>> -> memref<4096xf32, #tpu.memory_space<hbm>>
      %dma_start3A_75 = tpu.memref_slice %arg2[%mul3A_2] : memref<131072xf32, #tpu.memory_space<hbm>> -> memref<4096xf32, #tpu.memory_space<hbm>>
      tpu.enqueue_dma source(%dma_start3A_75 : memref<4096xf32, #tpu.memory_space<hbm>>) target(%arg11 : memref<4096xf32, #tpu.memory_space<vmem>>) target_semaphore(%run_scoped3A : memref<!tpu.dma_semaphore, #tpu.memory_space<semaphore_mem>>)
      %dma_wait3A = tpu.memref_slice %arg2[%mul3A_2] : memref<131072xf32, #tpu.memory_space<hbm>> -> memref<4096xf32, #tpu.memory_space<hbm>>
      %dma_wait3A_76 = tpu.memref_slice %arg2[%mul3A_2] : memref<131072xf32, #tpu.memory_space<hbm>> -> memref<4096xf32, #tpu.memory_space<hbm>>
      tpu.wait_dma2 semaphore(%run_scoped3A : memref<!tpu.dma_semaphore, #tpu.memory_space<semaphore_mem>>) src(%dma_wait3A_76 : memref<4096xf32, #tpu.memory_space<hbm>>) dst(%arg11 : memref<4096xf32, #tpu.memory_space<vmem>>)
      tpu.yield
    }) : () -> ()
    %mul3A_3 = arith.constant 256 : i32
    %mul3A_4 = arith.muli %add3A, %mul3A_3 : i32
    "tpu.region"() ({
      %run_scoped3A = tpu.sem_alloc : memref<!tpu.dma_semaphore, #tpu.memory_space<semaphore_mem>>
      %dma_start3A = tpu.memref_slice %arg3[%mul3A_4] : memref<8192xi32, #tpu.memory_space<hbm>> -> memref<256xi32, #tpu.memory_space<hbm>>
      %dma_start3A_75 = tpu.memref_slice %arg3[%mul3A_4] : memref<8192xi32, #tpu.memory_space<hbm>> -> memref<256xi32, #tpu.memory_space<hbm>>
      tpu.enqueue_dma source(%dma_start3A_75 : memref<256xi32, #tpu.memory_space<hbm>>) target(%arg12 : memref<256xi32, #tpu.memory_space<vmem>>) target_semaphore(%run_scoped3A : memref<!tpu.dma_semaphore, #tpu.memory_space<semaphore_mem>>)
      %dma_wait3A = tpu.memref_slice %arg3[%mul3A_4] : memref<8192xi32, #tpu.memory_space<hbm>> -> memref<256xi32, #tpu.memory_space<hbm>>
      %dma_wait3A_76 = tpu.memref_slice %arg3[%mul3A_4] : memref<8192xi32, #tpu.memory_space<hbm>> -> memref<256xi32, #tpu.memory_space<hbm>>
      tpu.wait_dma2 semaphore(%run_scoped3A : memref<!tpu.dma_semaphore, #tpu.memory_space<semaphore_mem>>) src(%dma_wait3A_76 : memref<256xi32, #tpu.memory_space<hbm>>) dst(%arg12 : memref<256xi32, #tpu.memory_space<vmem>>)
      tpu.yield
    }) : () -> ()
    "tpu.region"() ({
      %run_scoped3A = tpu.sem_alloc : memref<!tpu.dma_semaphore, #tpu.memory_space<semaphore_mem>>
      tpu.enqueue_dma source(%arg4 : memref<8192xf32, #tpu.memory_space<hbm>>) target(%arg13 : memref<8192xf32, #tpu.memory_space<vmem>>) target_semaphore(%run_scoped3A : memref<!tpu.dma_semaphore, #tpu.memory_space<semaphore_mem>>)
      tpu.wait_dma2 semaphore(%run_scoped3A : memref<!tpu.dma_semaphore, #tpu.memory_space<semaphore_mem>>) src(%arg4 : memref<8192xf32, #tpu.memory_space<hbm>>) dst(%arg13 : memref<8192xf32, #tpu.memory_space<vmem>>)
      tpu.yield
    }) : () -> ()
    "tpu.region"() ({
      %run_scoped3A = tpu.sem_alloc : memref<!tpu.dma_semaphore, #tpu.memory_space<semaphore_mem>>
      tpu.enqueue_dma source(%arg5 : memref<512xf32, #tpu.memory_space<hbm>>) target(%arg14 : memref<512xf32, #tpu.memory_space<vmem>>) target_semaphore(%run_scoped3A : memref<!tpu.dma_semaphore, #tpu.memory_space<semaphore_mem>>)
      tpu.wait_dma2 semaphore(%run_scoped3A : memref<!tpu.dma_semaphore, #tpu.memory_space<semaphore_mem>>) src(%arg5 : memref<512xf32, #tpu.memory_space<hbm>>) dst(%arg14 : memref<512xf32, #tpu.memory_space<vmem>>)
      tpu.yield
    }) : () -> ()
    "tpu.region"() ({
      %run_scoped3A = tpu.sem_alloc : memref<!tpu.dma_semaphore, #tpu.memory_space<semaphore_mem>>
      tpu.enqueue_dma source(%arg6 : memref<512xf32, #tpu.memory_space<hbm>>) target(%arg15 : memref<512xf32, #tpu.memory_space<vmem>>) target_semaphore(%run_scoped3A : memref<!tpu.dma_semaphore, #tpu.memory_space<semaphore_mem>>)
      tpu.wait_dma2 semaphore(%run_scoped3A : memref<!tpu.dma_semaphore, #tpu.memory_space<semaphore_mem>>) src(%arg6 : memref<512xf32, #tpu.memory_space<hbm>>) dst(%arg15 : memref<512xf32, #tpu.memory_space<vmem>>)
      tpu.yield
    }) : () -> ()
    "tpu.region"() ({
      %run_scoped3A = tpu.sem_alloc : memref<!tpu.dma_semaphore, #tpu.memory_space<semaphore_mem>>
      tpu.enqueue_dma source(%arg7 : memref<512xf32, #tpu.memory_space<hbm>>) target(%arg16 : memref<512xf32, #tpu.memory_space<vmem>>) target_semaphore(%run_scoped3A : memref<!tpu.dma_semaphore, #tpu.memory_space<semaphore_mem>>)
      tpu.wait_dma2 semaphore(%run_scoped3A : memref<!tpu.dma_semaphore, #tpu.memory_space<semaphore_mem>>) src(%arg7 : memref<512xf32, #tpu.memory_space<hbm>>) dst(%arg16 : memref<512xf32, #tpu.memory_space<vmem>>)
      tpu.yield
    }) : () -> ()
    "tpu.region"() ({
      %run_scoped3A = tpu.sem_alloc : memref<!tpu.dma_semaphore, #tpu.memory_space<semaphore_mem>>
      tpu.enqueue_dma source(%arg8 : memref<512xf32, #tpu.memory_space<hbm>>) target(%arg17 : memref<512xf32, #tpu.memory_space<vmem>>) target_semaphore(%run_scoped3A : memref<!tpu.dma_semaphore, #tpu.memory_space<semaphore_mem>>)
      tpu.wait_dma2 semaphore(%run_scoped3A : memref<!tpu.dma_semaphore, #tpu.memory_space<semaphore_mem>>) src(%arg8 : memref<512xf32, #tpu.memory_space<hbm>>) dst(%arg17 : memref<512xf32, #tpu.memory_space<vmem>>)
      tpu.yield
    }) : () -> ()
    "tpu.region"() ({
      %run_scoped3A = tpu.sem_alloc : memref<!tpu.dma_semaphore, #tpu.memory_space<semaphore_mem>>
      tpu.enqueue_dma source(%arg9 : memref<16xf32, #tpu.memory_space<hbm>>) target(%arg18 : memref<16xf32, #tpu.memory_space<vmem>>) target_semaphore(%run_scoped3A : memref<!tpu.dma_semaphore, #tpu.memory_space<semaphore_mem>>)
      tpu.wait_dma2 semaphore(%run_scoped3A : memref<!tpu.dma_semaphore, #tpu.memory_space<semaphore_mem>>) src(%arg9 : memref<16xf32, #tpu.memory_space<hbm>>) dst(%arg18 : memref<16xf32, #tpu.memory_space<vmem>>)
      tpu.yield
    }) : () -> ()
    %broadcast_in_dim3A = arith.constant 0.000000e+00 : f32
    %broadcast_in_dim3A_5 = vector.broadcast %broadcast_in_dim3A : f32 to vector<16xf32>
    %swap3A = arith.constant 0 : index
    %swap3A_6 = tpu.vector_load %arg20[%swap3A] {strides = array<i32>} : memref<256xf32, #tpu.memory_space<vmem>>, vector<16xf32>,
    tpu.vector_store %arg20[%swap3A], %broadcast_in_dim3A_5 {strides = array<i32>} : memref<256xf32, #tpu.memory_space<vmem>>, vector<16xf32>,
    %broadcast_in_dim3A_7 = arith.constant 0.000000e+00 : f32
    %broadcast_in_dim3A_8 = vector.broadcast %broadcast_in_dim3A_7 : f32 to vector<16xf32>
    %swap3A_9 = arith.constant 16 : index
    %swap3A_10 = tpu.vector_load %arg20[%swap3A_9] {strides = array<i32>} : memref<256xf32, #tpu.memory_space<vmem>>, vector<16xf32>,
    tpu.vector_store %arg20[%swap3A_9], %broadcast_in_dim3A_8 {strides = array<i32>} : memref<256xf32, #tpu.memory_space<vmem>>, vector<16xf32>,
    %broadcast_in_dim3A_11 = arith.constant 0.000000e+00 : f32
    %broadcast_in_dim3A_12 = vector.broadcast %broadcast_in_dim3A_11 : f32 to vector<16xf32>
    %swap3A_13 = arith.constant 32 : index
    %swap3A_14 = tpu.vector_load %arg20[%swap3A_13] {strides = array<i32>} : memref<256xf32, #tpu.memory_space<vmem>>, vector<16xf32>,
    tpu.vector_store %arg20[%swap3A_13], %broadcast_in_dim3A_12 {strides = array<i32>} : memref<256xf32, #tpu.memory_space<vmem>>, vector<16xf32>,
    %broadcast_in_dim3A_15 = arith.constant 0.000000e+00 : f32
    %broadcast_in_dim3A_16 = vector.broadcast %broadcast_in_dim3A_15 : f32 to vector<16xf32>
    %swap3A_17 = arith.constant 48 : index
    %swap3A_18 = tpu.vector_load %arg20[%swap3A_17] {strides = array<i32>} : memref<256xf32, #tpu.memory_space<vmem>>, vector<16xf32>,
    tpu.vector_store %arg20[%swap3A_17], %broadcast_in_dim3A_16 {strides = array<i32>} : memref<256xf32, #tpu.memory_space<vmem>>, vector<16xf32>,
    %broadcast_in_dim3A_19 = arith.constant 0.000000e+00 : f32
    %broadcast_in_dim3A_20 = vector.broadcast %broadcast_in_dim3A_19 : f32 to vector<16xf32>
    %swap3A_21 = arith.constant 64 : index
    %swap3A_22 = tpu.vector_load %arg20[%swap3A_21] {strides = array<i32>} : memref<256xf32, #tpu.memory_space<vmem>>, vector<16xf32>,
    tpu.vector_store %arg20[%swap3A_21], %broadcast_in_dim3A_20 {strides = array<i32>} : memref<256xf32, #tpu.memory_space<vmem>>, vector<16xf32>,
    %broadcast_in_dim3A_23 = arith.constant 0.000000e+00 : f32
    %broadcast_in_dim3A_24 = vector.broadcast %broadcast_in_dim3A_23 : f32 to vector<16xf32>
    %swap3A_25 = arith.constant 80 : index
    %swap3A_26 = tpu.vector_load %arg20[%swap3A_25] {strides = array<i32>} : memref<256xf32, #tpu.memory_space<vmem>>, vector<16xf32>,
    tpu.vector_store %arg20[%swap3A_25], %broadcast_in_dim3A_24 {strides = array<i32>} : memref<256xf32, #tpu.memory_space<vmem>>, vector<16xf32>,
    %broadcast_in_dim3A_27 = arith.constant 0.000000e+00 : f32
    %broadcast_in_dim3A_28 = vector.broadcast %broadcast_in_dim3A_27 : f32 to vector<16xf32>
    %swap3A_29 = arith.constant 96 : index
    %swap3A_30 = tpu.vector_load %arg20[%swap3A_29] {strides = array<i32>} : memref<256xf32, #tpu.memory_space<vmem>>, vector<16xf32>,
    tpu.vector_store %arg20[%swap3A_29], %broadcast_in_dim3A_28 {strides = array<i32>} : memref<256xf32, #tpu.memory_space<vmem>>, vector<16xf32>,
    %broadcast_in_dim3A_31 = arith.constant 0.000000e+00 : f32
    %broadcast_in_dim3A_32 = vector.broadcast %broadcast_in_dim3A_31 : f32 to vector<16xf32>
    %swap3A_33 = arith.constant 112 : index
    %swap3A_34 = tpu.vector_load %arg20[%swap3A_33] {strides = array<i32>} : memref<256xf32, #tpu.memory_space<vmem>>, vector<16xf32>,
    tpu.vector_store %arg20[%swap3A_33], %broadcast_in_dim3A_32 {strides = array<i32>} : memref<256xf32, #tpu.memory_space<vmem>>, vector<16xf32>,
    %broadcast_in_dim3A_35 = arith.constant 0.000000e+00 : f32
    %broadcast_in_dim3A_36 = vector.broadcast %broadcast_in_dim3A_35 : f32 to vector<16xf32>
    %swap3A_37 = arith.constant 128 : index
    %swap3A_38 = tpu.vector_load %arg20[%swap3A_37] {strides = array<i32>} : memref<256xf32, #tpu.memory_space<vmem>>, vector<16xf32>,
    tpu.vector_store %arg20[%swap3A_37], %broadcast_in_dim3A_36 {strides = array<i32>} : memref<256xf32, #tpu.memory_space<vmem>>, vector<16xf32>,
    %broadcast_in_dim3A_39 = arith.constant 0.000000e+00 : f32
    %broadcast_in_dim3A_40 = vector.broadcast %broadcast_in_dim3A_39 : f32 to vector<16xf32>
    %swap3A_41 = arith.constant 144 : index
    %swap3A_42 = tpu.vector_load %arg20[%swap3A_41] {strides = array<i32>} : memref<256xf32, #tpu.memory_space<vmem>>, vector<16xf32>,
    tpu.vector_store %arg20[%swap3A_41], %broadcast_in_dim3A_40 {strides = array<i32>} : memref<256xf32, #tpu.memory_space<vmem>>, vector<16xf32>,
    %broadcast_in_dim3A_43 = arith.constant 0.000000e+00 : f32
    %broadcast_in_dim3A_44 = vector.broadcast %broadcast_in_dim3A_43 : f32 to vector<16xf32>
    %swap3A_45 = arith.constant 160 : index
    %swap3A_46 = tpu.vector_load %arg20[%swap3A_45] {strides = array<i32>} : memref<256xf32, #tpu.memory_space<vmem>>, vector<16xf32>,
    tpu.vector_store %arg20[%swap3A_45], %broadcast_in_dim3A_44 {strides = array<i32>} : memref<256xf32, #tpu.memory_space<vmem>>, vector<16xf32>,
    %broadcast_in_dim3A_47 = arith.constant 0.000000e+00 : f32
    %broadcast_in_dim3A_48 = vector.broadcast %broadcast_in_dim3A_47 : f32 to vector<16xf32>
    %swap3A_49 = arith.constant 176 : index
    %swap3A_50 = tpu.vector_load %arg20[%swap3A_49] {strides = array<i32>} : memref<256xf32, #tpu.memory_space<vmem>>, vector<16xf32>,
    tpu.vector_store %arg20[%swap3A_49], %broadcast_in_dim3A_48 {strides = array<i32>} : memref<256xf32, #tpu.memory_space<vmem>>, vector<16xf32>,
    %broadcast_in_dim3A_51 = arith.constant 0.000000e+00 : f32
    %broadcast_in_dim3A_52 = vector.broadcast %broadcast_in_dim3A_51 : f32 to vector<16xf32>
    %swap3A_53 = arith.constant 192 : index
    %swap3A_54 = tpu.vector_load %arg20[%swap3A_53] {strides = array<i32>} : memref<256xf32, #tpu.memory_space<vmem>>, vector<16xf32>,
    tpu.vector_store %arg20[%swap3A_53], %broadcast_in_dim3A_52 {strides = array<i32>} : memref<256xf32, #tpu.memory_space<vmem>>, vector<16xf32>,
    %broadcast_in_dim3A_55 = arith.constant 0.000000e+00 : f32
    %broadcast_in_dim3A_56 = vector.broadcast %broadcast_in_dim3A_55 : f32 to vector<16xf32>
    %swap3A_57 = arith.constant 208 : index
    %swap3A_58 = tpu.vector_load %arg20[%swap3A_57] {strides = array<i32>} : memref<256xf32, #tpu.memory_space<vmem>>, vector<16xf32>,
    tpu.vector_store %arg20[%swap3A_57], %broadcast_in_dim3A_56 {strides = array<i32>} : memref<256xf32, #tpu.memory_space<vmem>>, vector<16xf32>,
    %broadcast_in_dim3A_59 = arith.constant 0.000000e+00 : f32
    %broadcast_in_dim3A_60 = vector.broadcast %broadcast_in_dim3A_59 : f32 to vector<16xf32>
    %swap3A_61 = arith.constant 224 : index
    %swap3A_62 = tpu.vector_load %arg20[%swap3A_61] {strides = array<i32>} : memref<256xf32, #tpu.memory_space<vmem>>, vector<16xf32>,
    tpu.vector_store %arg20[%swap3A_61], %broadcast_in_dim3A_60 {strides = array<i32>} : memref<256xf32, #tpu.memory_space<vmem>>, vector<16xf32>,
    %broadcast_in_dim3A_63 = arith.constant 0.000000e+00 : f32
    %broadcast_in_dim3A_64 = vector.broadcast %broadcast_in_dim3A_63 : f32 to vector<16xf32>
    %swap3A_65 = arith.constant 240 : index
    %swap3A_66 = tpu.vector_load %arg20[%swap3A_65] {strides = array<i32>} : memref<256xf32, #tpu.memory_space<vmem>>, vector<16xf32>,
    tpu.vector_store %arg20[%swap3A_65], %broadcast_in_dim3A_64 {strides = array<i32>} : memref<256xf32, #tpu.memory_space<vmem>>, vector<16xf32>,
    %iota3A = tpu.iota {dimensions = array<i32: 0>} : vector<16xi32>
    %mul3A_67 = arith.constant 16 : i32
    %mul3A_68 = vector.broadcast %mul3A_67 : i32 to vector<16xi32>
    %mul3A_69 = arith.muli %iota3A, %mul3A_68 : vector<16xi32>
    %scan3A = arith.constant 0 : i32
    %scan3A_70 = arith.constant 0 : i32
    %scan3A_71 = arith.constant 16 : i32
    %scan3A_72 = arith.addi %scan3A_70, %scan3A_71 : i32
    %scan3A_73 = arith.constant 1 : i32
    scf.for %scan3A_75 = %scan3A_70 to %scan3A_72 step %scan3A_73  : i32 {
      %mul3A_76 = arith.constant 256 : i32
      %mul3A_77 = arith.muli %scan3A_75, %mul3A_76 : i32
      %mul3A_78 = arith.constant 16 : i32
      %mul3A_79 = arith.muli %scan3A_75, %mul3A_78 : i32
      %get3A = arith.index_cast %mul3A_79 : i32 to index
      %get3A_80 = tpu.vector_load %arg12[%get3A] {strides = array<i32>} : memref<256xi32, #tpu.memory_space<vmem>>, vector<16xi32>,
      %mul3A_81 = arith.constant 32 : i32
      %mul3A_82 = vector.broadcast %mul3A_81 : i32 to vector<16xi32>
      %mul3A_83 = arith.muli %get3A_80, %mul3A_82 : vector<16xi32>
      %mul3A_84 = arith.constant 512 : i32
      %mul3A_85 = vector.broadcast %mul3A_84 : i32 to vector<16xi32>
      %mul3A_86 = arith.muli %get3A_80, %mul3A_85 : vector<16xi32>
      %add3A_87 = arith.constant 0 : i32
      %add3A_88 = arith.addi %mul3A_77, %add3A_87 : i32
      %add3A_89 = vector.broadcast %add3A_88 : i32 to vector<16xi32>
      %add3A_90 = arith.addi %mul3A_69, %add3A_89 : vector<16xi32>
      %gather3A = tpu.vector_load_idx %arg11[%add3A_90] : memref<4096xf32, #tpu.memory_space<vmem>>[vector<16xi32>], vector<16xf32>,
      %add3A_91 = arith.constant 1 : i32
      %add3A_92 = arith.addi %mul3A_77, %add3A_91 : i32
      %add3A_93 = vector.broadcast %add3A_92 : i32 to vector<16xi32>
      %add3A_94 = arith.addi %mul3A_69, %add3A_93 : vector<16xi32>
      %gather3A_95 = tpu.vector_load_idx %arg11[%add3A_94] : memref<4096xf32, #tpu.memory_space<vmem>>[vector<16xi32>], vector<16xf32>,
      %add3A_96 = arith.constant 2 : i32
      %add3A_97 = arith.addi %mul3A_77, %add3A_96 : i32
      %add3A_98 = vector.broadcast %add3A_97 : i32 to vector<16xi32>
      %add3A_99 = arith.addi %mul3A_69, %add3A_98 : vector<16xi32>
      %gather3A_100 = tpu.vector_load_idx %arg11[%add3A_99] : memref<4096xf32, #tpu.memory_space<vmem>>[vector<16xi32>], vector<16xf32>,
      %add3A_101 = arith.constant 3 : i32
      %add3A_102 = arith.addi %mul3A_77, %add3A_101 : i32
      %add3A_103 = vector.broadcast %add3A_102 : i32 to vector<16xi32>
      %add3A_104 = arith.addi %mul3A_69, %add3A_103 : vector<16xi32>
      %gather3A_105 = tpu.vector_load_idx %arg11[%add3A_104] : memref<4096xf32, #tpu.memory_space<vmem>>[vector<16xi32>], vector<16xf32>,
      %add3A_106 = arith.constant 4 : i32
      %add3A_107 = arith.addi %mul3A_77, %add3A_106 : i32
      %add3A_108 = vector.broadcast %add3A_107 : i32 to vector<16xi32>
      %add3A_109 = arith.addi %mul3A_69, %add3A_108 : vector<16xi32>
      %gather3A_110 = tpu.vector_load_idx %arg11[%add3A_109] : memref<4096xf32, #tpu.memory_space<vmem>>[vector<16xi32>], vector<16xf32>,
      %add3A_111 = arith.constant 5 : i32
      %add3A_112 = arith.addi %mul3A_77, %add3A_111 : i32
      %add3A_113 = vector.broadcast %add3A_112 : i32 to vector<16xi32>
      %add3A_114 = arith.addi %mul3A_69, %add3A_113 : vector<16xi32>
      %gather3A_115 = tpu.vector_load_idx %arg11[%add3A_114] : memref<4096xf32, #tpu.memory_space<vmem>>[vector<16xi32>], vector<16xf32>,
      %add3A_116 = arith.constant 6 : i32
      %add3A_117 = arith.addi %mul3A_77, %add3A_116 : i32
      %add3A_118 = vector.broadcast %add3A_117 : i32 to vector<16xi32>
      %add3A_119 = arith.addi %mul3A_69, %add3A_118 : vector<16xi32>
      %gather3A_120 = tpu.vector_load_idx %arg11[%add3A_119] : memref<4096xf32, #tpu.memory_space<vmem>>[vector<16xi32>], vector<16xf32>,
      %add3A_121 = arith.constant 7 : i32
      %add3A_122 = arith.addi %mul3A_77, %add3A_121 : i32
      %add3A_123 = vector.broadcast %add3A_122 : i32 to vector<16xi32>
      %add3A_124 = arith.addi %mul3A_69, %add3A_123 : vector<16xi32>
      %gather3A_125 = tpu.vector_load_idx %arg11[%add3A_124] : memref<4096xf32, #tpu.memory_space<vmem>>[vector<16xi32>], vector<16xf32>,
      %add3A_126 = arith.constant 8 : i32
      %add3A_127 = arith.addi %mul3A_77, %add3A_126 : i32
      %add3A_128 = vector.broadcast %add3A_127 : i32 to vector<16xi32>
      %add3A_129 = arith.addi %mul3A_69, %add3A_128 : vector<16xi32>
      %gather3A_130 = tpu.vector_load_idx %arg11[%add3A_129] : memref<4096xf32, #tpu.memory_space<vmem>>[vector<16xi32>], vector<16xf32>,
      %add3A_131 = arith.constant 9 : i32
      %add3A_132 = arith.addi %mul3A_77, %add3A_131 : i32
      %add3A_133 = vector.broadcast %add3A_132 : i32 to vector<16xi32>
      %add3A_134 = arith.addi %mul3A_69, %add3A_133 : vector<16xi32>
      %gather3A_135 = tpu.vector_load_idx %arg11[%add3A_134] : memref<4096xf32, #tpu.memory_space<vmem>>[vector<16xi32>], vector<16xf32>,
      %add3A_136 = arith.constant 10 : i32
      %add3A_137 = arith.addi %mul3A_77, %add3A_136 : i32
      %add3A_138 = vector.broadcast %add3A_137 : i32 to vector<16xi32>
      %add3A_139 = arith.addi %mul3A_69, %add3A_138 : vector<16xi32>
      %gather3A_140 = tpu.vector_load_idx %arg11[%add3A_139] : memref<4096xf32, #tpu.memory_space<vmem>>[vector<16xi32>], vector<16xf32>,
      %add3A_141 = arith.constant 11 : i32
      %add3A_142 = arith.addi %mul3A_77, %add3A_141 : i32
      %add3A_143 = vector.broadcast %add3A_142 : i32 to vector<16xi32>
      %add3A_144 = arith.addi %mul3A_69, %add3A_143 : vector<16xi32>
      %gather3A_145 = tpu.vector_load_idx %arg11[%add3A_144] : memref<4096xf32, #tpu.memory_space<vmem>>[vector<16xi32>], vector<16xf32>,
      %add3A_146 = arith.constant 12 : i32
      %add3A_147 = arith.addi %mul3A_77, %add3A_146 : i32
      %add3A_148 = vector.broadcast %add3A_147 : i32 to vector<16xi32>
      %add3A_149 = arith.addi %mul3A_69, %add3A_148 : vector<16xi32>
      %gather3A_150 = tpu.vector_load_idx %arg11[%add3A_149] : memref<4096xf32, #tpu.memory_space<vmem>>[vector<16xi32>], vector<16xf32>,
      %add3A_151 = arith.constant 13 : i32
      %add3A_152 = arith.addi %mul3A_77, %add3A_151 : i32
      %add3A_153 = vector.broadcast %add3A_152 : i32 to vector<16xi32>
      %add3A_154 = arith.addi %mul3A_69, %add3A_153 : vector<16xi32>
      %gather3A_155 = tpu.vector_load_idx %arg11[%add3A_154] : memref<4096xf32, #tpu.memory_space<vmem>>[vector<16xi32>], vector<16xf32>,
      %add3A_156 = arith.constant 14 : i32
      %add3A_157 = arith.addi %mul3A_77, %add3A_156 : i32
      %add3A_158 = vector.broadcast %add3A_157 : i32 to vector<16xi32>
      %add3A_159 = arith.addi %mul3A_69, %add3A_158 : vector<16xi32>
      %gather3A_160 = tpu.vector_load_idx %arg11[%add3A_159] : memref<4096xf32, #tpu.memory_space<vmem>>[vector<16xi32>], vector<16xf32>,
      %add3A_161 = arith.constant 15 : i32
      %add3A_162 = arith.addi %mul3A_77, %add3A_161 : i32
      %add3A_163 = vector.broadcast %add3A_162 : i32 to vector<16xi32>
      %add3A_164 = arith.addi %mul3A_69, %add3A_163 : vector<16xi32>
      %gather3A_165 = tpu.vector_load_idx %arg11[%add3A_164] : memref<4096xf32, #tpu.memory_space<vmem>>[vector<16xi32>], vector<16xf32>,
      %broadcast_in_dim3A_166 = arith.constant 0.000000e+00 : f32
      %broadcast_in_dim3A_167 = vector.broadcast %broadcast_in_dim3A_166 : f32 to vector<16xf32>
      %broadcast_in_dim3A_168 = arith.constant 0.000000e+00 : f32
      %broadcast_in_dim3A_169 = vector.broadcast %broadcast_in_dim3A_168 : f32 to vector<16xf32>
      %scan3A_170 = arith.constant 0 : i32
      %scan3A_171 = arith.constant 16 : i32
      %scan3A_172 = arith.addi %scan3A_170, %scan3A_171 : i32
      %scan3A_173 = arith.constant 1 : i32
      %scan3A_174:2 = scf.for %scan3A_295 = %scan3A_170 to %scan3A_172 step %scan3A_173 iter_args(%scan3A_296 = %broadcast_in_dim3A_167, %scan3A_297 = %broadcast_in_dim3A_169) -> (vector<16xf32>, vector<16xf32>)  : i32 {
        %mul3A_298 = arith.constant 2 : i32
        %mul3A_299 = arith.muli %scan3A_295, %mul3A_298 : i32
        %add3A_300 = arith.constant 0 : i32
        %add3A_301 = arith.addi %mul3A_299, %add3A_300 : i32
        %add3A_302 = vector.broadcast %add3A_301 : i32 to vector<16xi32>
        %add3A_303 = arith.addi %mul3A_83, %add3A_302 : vector<16xi32>
        %gather3A_304 = tpu.vector_load_idx %arg14[%add3A_303] : memref<512xf32, #tpu.memory_space<vmem>>[vector<16xi32>], vector<16xf32>,
        %add3A_305 = arith.constant 0 : i32
        %add3A_306 = arith.addi %add3A_305, %add3A_301 : i32
        %add3A_307 = vector.broadcast %add3A_306 : i32 to vector<16xi32>
        %add3A_308 = arith.addi %mul3A_86, %add3A_307 : vector<16xi32>
        %gather3A_309 = tpu.vector_load_idx %arg13[%add3A_308] : memref<8192xf32, #tpu.memory_space<vmem>>[vector<16xi32>], vector<16xf32>,
        %mul3A_310 = arith.mulf %gather3A_309, %gather3A : vector<16xf32>
        %add3A_311 = arith.constant 32 : i32
        %add3A_312 = arith.addi %add3A_311, %add3A_301 : i32
        %add3A_313 = vector.broadcast %add3A_312 : i32 to vector<16xi32>
        %add3A_314 = arith.addi %mul3A_86, %add3A_313 : vector<16xi32>
        %gather3A_315 = tpu.vector_load_idx %arg13[%add3A_314] : memref<8192xf32, #tpu.memory_space<vmem>>[vector<16xi32>], vector<16xf32>,
        %mul3A_316 = arith.mulf %gather3A_315, %gather3A_95 : vector<16xf32>
        %add3A_317 = arith.constant 64 : i32
        %add3A_318 = arith.addi %add3A_317, %add3A_301 : i32
        %add3A_319 = vector.broadcast %add3A_318 : i32 to vector<16xi32>
        %add3A_320 = arith.addi %mul3A_86, %add3A_319 : vector<16xi32>
        %gather3A_321 = tpu.vector_load_idx %arg13[%add3A_320] : memref<8192xf32, #tpu.memory_space<vmem>>[vector<16xi32>], vector<16xf32>,
        %mul3A_322 = arith.mulf %gather3A_321, %gather3A_100 : vector<16xf32>
        %add3A_323 = arith.constant 96 : i32
        %add3A_324 = arith.addi %add3A_323, %add3A_301 : i32
        %add3A_325 = vector.broadcast %add3A_324 : i32 to vector<16xi32>
        %add3A_326 = arith.addi %mul3A_86, %add3A_325 : vector<16xi32>
        %gather3A_327 = tpu.vector_load_idx %arg13[%add3A_326] : memref<8192xf32, #tpu.memory_space<vmem>>[vector<16xi32>], vector<16xf32>,
        %mul3A_328 = arith.mulf %gather3A_327, %gather3A_105 : vector<16xf32>
        %add3A_329 = arith.addf %gather3A_304, %mul3A_328 : vector<16xf32>
        %add3A_330 = arith.constant 128 : i32
        %add3A_331 = arith.addi %add3A_330, %add3A_301 : i32
        %add3A_332 = vector.broadcast %add3A_331 : i32 to vector<16xi32>
        %add3A_333 = arith.addi %mul3A_86, %add3A_332 : vector<16xi32>
        %gather3A_334 = tpu.vector_load_idx %arg13[%add3A_333] : memref<8192xf32, #tpu.memory_space<vmem>>[vector<16xi32>], vector<16xf32>,
        %mul3A_335 = arith.mulf %gather3A_334, %gather3A_110 : vector<16xf32>
        %add3A_336 = arith.addf %mul3A_310, %mul3A_335 : vector<16xf32>
        %add3A_337 = arith.constant 160 : i32
        %add3A_338 = arith.addi %add3A_337, %add3A_301 : i32
        %add3A_339 = vector.broadcast %add3A_338 : i32 to vector<16xi32>
        %add3A_340 = arith.addi %mul3A_86, %add3A_339 : vector<16xi32>
        %gather3A_341 = tpu.vector_load_idx %arg13[%add3A_340] : memref<8192xf32, #tpu.memory_space<vmem>>[vector<16xi32>], vector<16xf32>,
        %mul3A_342 = arith.mulf %gather3A_341, %gather3A_115 : vector<16xf32>
        %add3A_343 = arith.addf %mul3A_316, %mul3A_342 : vector<16xf32>
        %add3A_344 = arith.constant 192 : i32
        %add3A_345 = arith.addi %add3A_344, %add3A_301 : i32
        %add3A_346 = vector.broadcast %add3A_345 : i32 to vector<16xi32>
        %add3A_347 = arith.addi %mul3A_86, %add3A_346 : vector<16xi32>
        %gather3A_348 = tpu.vector_load_idx %arg13[%add3A_347] : memref<8192xf32, #tpu.memory_space<vmem>>[vector<16xi32>], vector<16xf32>,
        %mul3A_349 = arith.mulf %gather3A_348, %gather3A_120 : vector<16xf32>
        %add3A_350 = arith.addf %mul3A_322, %mul3A_349 : vector<16xf32>
        %add3A_351 = arith.constant 224 : i32
        %add3A_352 = arith.addi %add3A_351, %add3A_301 : i32
        %add3A_353 = vector.broadcast %add3A_352 : i32 to vector<16xi32>
        %add3A_354 = arith.addi %mul3A_86, %add3A_353 : vector<16xi32>
        %gather3A_355 = tpu.vector_load_idx %arg13[%add3A_354] : memref<8192xf32, #tpu.memory_space<vmem>>[vector<16xi32>], vector<16xf32>,
        %mul3A_356 = arith.mulf %gather3A_355, %gather3A_125 : vector<16xf32>
        %add3A_357 = arith.addf %add3A_329, %mul3A_356 : vector<16xf32>
        %add3A_358 = arith.constant 256 : i32
        %add3A_359 = arith.addi %add3A_358, %add3A_301 : i32
        %add3A_360 = vector.broadcast %add3A_359 : i32 to vector<16xi32>
        %add3A_361 = arith.addi %mul3A_86, %add3A_360 : vector<16xi32>
        %gather3A_362 = tpu.vector_load_idx %arg13[%add3A_361] : memref<8192xf32, #tpu.memory_space<vmem>>[vector<16xi32>], vector<16xf32>,
        %mul3A_363 = arith.mulf %gather3A_362, %gather3A_130 : vector<16xf32>
        %add3A_364 = arith.addf %add3A_336, %mul3A_363 : vector<16xf32>
        %add3A_365 = arith.constant 288 : i32
        %add3A_366 = arith.addi %add3A_365, %add3A_301 : i32
        %add3A_367 = vector.broadcast %add3A_366 : i32 to vector<16xi32>
        %add3A_368 = arith.addi %mul3A_86, %add3A_367 : vector<16xi32>
        %gather3A_369 = tpu.vector_load_idx %arg13[%add3A_368] : memref<8192xf32, #tpu.memory_space<vmem>>[vector<16xi32>], vector<16xf32>,
        %mul3A_370 = arith.mulf %gather3A_369, %gather3A_135 : vector<16xf32>
        %add3A_371 = arith.addf %add3A_343, %mul3A_370 : vector<16xf32>
        %add3A_372 = arith.constant 320 : i32
        %add3A_373 = arith.addi %add3A_372, %add3A_301 : i32
        %add3A_374 = vector.broadcast %add3A_373 : i32 to vector<16xi32>
        %add3A_375 = arith.addi %mul3A_86, %add3A_374 : vector<16xi32>
        %gather3A_376 = tpu.vector_load_idx %arg13[%add3A_375] : memref<8192xf32, #tpu.memory_space<vmem>>[vector<16xi32>], vector<16xf32>,
        %mul3A_377 = arith.mulf %gather3A_376, %gather3A_140 : vector<16xf32>
        %add3A_378 = arith.addf %add3A_350, %mul3A_377 : vector<16xf32>
        %add3A_379 = arith.constant 352 : i32
        %add3A_380 = arith.addi %add3A_379, %add3A_301 : i32
        %add3A_381 = vector.broadcast %add3A_380 : i32 to vector<16xi32>
        %add3A_382 = arith.addi %mul3A_86, %add3A_381 : vector<16xi32>
        %gather3A_383 = tpu.vector_load_idx %arg13[%add3A_382] : memref<8192xf32, #tpu.memory_space<vmem>>[vector<16xi32>], vector<16xf32>,
        %mul3A_384 = arith.mulf %gather3A_383, %gather3A_145 : vector<16xf32>
        %add3A_385 = arith.addf %add3A_357, %mul3A_384 : vector<16xf32>
        %add3A_386 = arith.constant 384 : i32
        %add3A_387 = arith.addi %add3A_386, %add3A_301 : i32
        %add3A_388 = vector.broadcast %add3A_387 : i32 to vector<16xi32>
        %add3A_389 = arith.addi %mul3A_86, %add3A_388 : vector<16xi32>
        %gather3A_390 = tpu.vector_load_idx %arg13[%add3A_389] : memref<8192xf32, #tpu.memory_space<vmem>>[vector<16xi32>], vector<16xf32>,
        %mul3A_391 = arith.mulf %gather3A_390, %gather3A_150 : vector<16xf32>
        %add3A_392 = arith.addf %add3A_364, %mul3A_391 : vector<16xf32>
        %add3A_393 = arith.constant 416 : i32
        %add3A_394 = arith.addi %add3A_393, %add3A_301 : i32
        %add3A_395 = vector.broadcast %add3A_394 : i32 to vector<16xi32>
        %add3A_396 = arith.addi %mul3A_86, %add3A_395 : vector<16xi32>
        %gather3A_397 = tpu.vector_load_idx %arg13[%add3A_396] : memref<8192xf32, #tpu.memory_space<vmem>>[vector<16xi32>], vector<16xf32>,
        %mul3A_398 = arith.mulf %gather3A_397, %gather3A_155 : vector<16xf32>
        %add3A_399 = arith.addf %add3A_371, %mul3A_398 : vector<16xf32>
        %add3A_400 = arith.constant 448 : i32
        %add3A_401 = arith.addi %add3A_400, %add3A_301 : i32
        %add3A_402 = vector.broadcast %add3A_401 : i32 to vector<16xi32>
        %add3A_403 = arith.addi %mul3A_86, %add3A_402 : vector<16xi32>
        %gather3A_404 = tpu.vector_load_idx %arg13[%add3A_403] : memref<8192xf32, #tpu.memory_space<vmem>>[vector<16xi32>], vector<16xf32>,
        %mul3A_405 = arith.mulf %gather3A_404, %gather3A_160 : vector<16xf32>
        %add3A_406 = arith.addf %add3A_378, %mul3A_405 : vector<16xf32>
        %add3A_407 = arith.constant 480 : i32
        %add3A_408 = arith.addi %add3A_407, %add3A_301 : i32
        %add3A_409 = vector.broadcast %add3A_408 : i32 to vector<16xi32>
        %add3A_410 = arith.addi %mul3A_86, %add3A_409 : vector<16xi32>
        %gather3A_411 = tpu.vector_load_idx %arg13[%add3A_410] : memref<8192xf32, #tpu.memory_space<vmem>>[vector<16xi32>], vector<16xf32>,
        %mul3A_412 = arith.mulf %gather3A_411, %gather3A_165 : vector<16xf32>
        %add3A_413 = arith.addf %add3A_385, %mul3A_412 : vector<16xf32>
        %add3A_414 = arith.addf %add3A_413, %add3A_392 : vector<16xf32>
        %add3A_415 = arith.addf %add3A_399, %add3A_406 : vector<16xf32>
        %add3A_416 = arith.addf %add3A_414, %add3A_415 : vector<16xf32>
        %mul3A_417 = arith.constant 16 : i32
        %mul3A_418 = arith.muli %add3A_301, %mul3A_417 : i32
        %swap3A_419 = arith.index_cast %mul3A_418 : i32 to index
        %swap3A_420 = tpu.vector_load %arg19[%swap3A_419] {strides = array<i32>} : memref<512xf32, #tpu.memory_space<vmem>>, vector<16xf32>,
        tpu.vector_store %arg19[%swap3A_419], %add3A_416 {strides = array<i32>} : memref<512xf32, #tpu.memory_space<vmem>>, vector<16xf32>,
        %add3A_421 = arith.addf %scan3A_296, %add3A_416 : vector<16xf32>
        %mul3A_422 = arith.mulf %add3A_416, %add3A_416 : vector<16xf32>
        %add3A_423 = arith.addf %scan3A_297, %mul3A_422 : vector<16xf32>
        %mul3A_424 = arith.constant 2 : i32
        %mul3A_425 = arith.muli %scan3A_295, %mul3A_424 : i32
        %add3A_426 = arith.constant 1 : i32
        %add3A_427 = arith.addi %mul3A_425, %add3A_426 : i32
        %add3A_428 = vector.broadcast %add3A_427 : i32 to vector<16xi32>
        %add3A_429 = arith.addi %mul3A_83, %add3A_428 : vector<16xi32>
        %gather3A_430 = tpu.vector_load_idx %arg14[%add3A_429] : memref<512xf32, #tpu.memory_space<vmem>>[vector<16xi32>], vector<16xf32>,
        %add3A_431 = arith.constant 0 : i32
        %add3A_432 = arith.addi %add3A_431, %add3A_427 : i32
        %add3A_433 = vector.broadcast %add3A_432 : i32 to vector<16xi32>
        %add3A_434 = arith.addi %mul3A_86, %add3A_433 : vector<16xi32>
        %gather3A_435 = tpu.vector_load_idx %arg13[%add3A_434] : memref<8192xf32, #tpu.memory_space<vmem>>[vector<16xi32>], vector<16xf32>,
        %mul3A_436 = arith.mulf %gather3A_435, %gather3A : vector<16xf32>
        %add3A_437 = arith.constant 32 : i32
        %add3A_438 = arith.addi %add3A_437, %add3A_427 : i32
        %add3A_439 = vector.broadcast %add3A_438 : i32 to vector<16xi32>
        %add3A_440 = arith.addi %mul3A_86, %add3A_439 : vector<16xi32>
        %gather3A_441 = tpu.vector_load_idx %arg13[%add3A_440] : memref<8192xf32, #tpu.memory_space<vmem>>[vector<16xi32>], vector<16xf32>,
        %mul3A_442 = arith.mulf %gather3A_441, %gather3A_95 : vector<16xf32>
        %add3A_443 = arith.constant 64 : i32
        %add3A_444 = arith.addi %add3A_443, %add3A_427 : i32
        %add3A_445 = vector.broadcast %add3A_444 : i32 to vector<16xi32>
        %add3A_446 = arith.addi %mul3A_86, %add3A_445 : vector<16xi32>
        %gather3A_447 = tpu.vector_load_idx %arg13[%add3A_446] : memref<8192xf32, #tpu.memory_space<vmem>>[vector<16xi32>], vector<16xf32>,
        %mul3A_448 = arith.mulf %gather3A_447, %gather3A_100 : vector<16xf32>
        %add3A_449 = arith.constant 96 : i32
        %add3A_450 = arith.addi %add3A_449, %add3A_427 : i32
        %add3A_451 = vector.broadcast %add3A_450 : i32 to vector<16xi32>
        %add3A_452 = arith.addi %mul3A_86, %add3A_451 : vector<16xi32>
        %gather3A_453 = tpu.vector_load_idx %arg13[%add3A_452] : memref<8192xf32, #tpu.memory_space<vmem>>[vector<16xi32>], vector<16xf32>,
        %mul3A_454 = arith.mulf %gather3A_453, %gather3A_105 : vector<16xf32>
        %add3A_455 = arith.addf %gather3A_430, %mul3A_454 : vector<16xf32>
        %add3A_456 = arith.constant 128 : i32
        %add3A_457 = arith.addi %add3A_456, %add3A_427 : i32
        %add3A_458 = vector.broadcast %add3A_457 : i32 to vector<16xi32>
        %add3A_459 = arith.addi %mul3A_86, %add3A_458 : vector<16xi32>
        %gather3A_460 = tpu.vector_load_idx %arg13[%add3A_459] : memref<8192xf32, #tpu.memory_space<vmem>>[vector<16xi32>], vector<16xf32>,
        %mul3A_461 = arith.mulf %gather3A_460, %gather3A_110 : vector<16xf32>
        %add3A_462 = arith.addf %mul3A_436, %mul3A_461 : vector<16xf32>
        %add3A_463 = arith.constant 160 : i32
        %add3A_464 = arith.addi %add3A_463, %add3A_427 : i32
        %add3A_465 = vector.broadcast %add3A_464 : i32 to vector<16xi32>
        %add3A_466 = arith.addi %mul3A_86, %add3A_465 : vector<16xi32>
        %gather3A_467 = tpu.vector_load_idx %arg13[%add3A_466] : memref<8192xf32, #tpu.memory_space<vmem>>[vector<16xi32>], vector<16xf32>,
        %mul3A_468 = arith.mulf %gather3A_467, %gather3A_115 : vector<16xf32>
        %add3A_469 = arith.addf %mul3A_442, %mul3A_468 : vector<16xf32>
        %add3A_470 = arith.constant 192 : i32
        %add3A_471 = arith.addi %add3A_470, %add3A_427 : i32
        %add3A_472 = vector.broadcast %add3A_471 : i32 to vector<16xi32>
        %add3A_473 = arith.addi %mul3A_86, %add3A_472 : vector<16xi32>
        %gather3A_474 = tpu.vector_load_idx %arg13[%add3A_473] : memref<8192xf32, #tpu.memory_space<vmem>>[vector<16xi32>], vector<16xf32>,
        %mul3A_475 = arith.mulf %gather3A_474, %gather3A_120 : vector<16xf32>
        %add3A_476 = arith.addf %mul3A_448, %mul3A_475 : vector<16xf32>
        %add3A_477 = arith.constant 224 : i32
        %add3A_478 = arith.addi %add3A_477, %add3A_427 : i32
        %add3A_479 = vector.broadcast %add3A_478 : i32 to vector<16xi32>
        %add3A_480 = arith.addi %mul3A_86, %add3A_479 : vector<16xi32>
        %gather3A_481 = tpu.vector_load_idx %arg13[%add3A_480] : memref<8192xf32, #tpu.memory_space<vmem>>[vector<16xi32>], vector<16xf32>,
        %mul3A_482 = arith.mulf %gather3A_481, %gather3A_125 : vector<16xf32>
        %add3A_483 = arith.addf %add3A_455, %mul3A_482 : vector<16xf32>
        %add3A_484 = arith.constant 256 : i32
        %add3A_485 = arith.addi %add3A_484, %add3A_427 : i32
        %add3A_486 = vector.broadcast %add3A_485 : i32 to vector<16xi32>
        %add3A_487 = arith.addi %mul3A_86, %add3A_486 : vector<16xi32>
        %gather3A_488 = tpu.vector_load_idx %arg13[%add3A_487] : memref<8192xf32, #tpu.memory_space<vmem>>[vector<16xi32>], vector<16xf32>,
        %mul3A_489 = arith.mulf %gather3A_488, %gather3A_130 : vector<16xf32>
        %add3A_490 = arith.addf %add3A_462, %mul3A_489 : vector<16xf32>
        %add3A_491 = arith.constant 288 : i32
        %add3A_492 = arith.addi %add3A_491, %add3A_427 : i32
        %add3A_493 = vector.broadcast %add3A_492 : i32 to vector<16xi32>
        %add3A_494 = arith.addi %mul3A_86, %add3A_493 : vector<16xi32>
        %gather3A_495 = tpu.vector_load_idx %arg13[%add3A_494] : memref<8192xf32, #tpu.memory_space<vmem>>[vector<16xi32>], vector<16xf32>,
        %mul3A_496 = arith.mulf %gather3A_495, %gather3A_135 : vector<16xf32>
        %add3A_497 = arith.addf %add3A_469, %mul3A_496 : vector<16xf32>
        %add3A_498 = arith.constant 320 : i32
        %add3A_499 = arith.addi %add3A_498, %add3A_427 : i32
        %add3A_500 = vector.broadcast %add3A_499 : i32 to vector<16xi32>
        %add3A_501 = arith.addi %mul3A_86, %add3A_500 : vector<16xi32>
        %gather3A_502 = tpu.vector_load_idx %arg13[%add3A_501] : memref<8192xf32, #tpu.memory_space<vmem>>[vector<16xi32>], vector<16xf32>,
        %mul3A_503 = arith.mulf %gather3A_502, %gather3A_140 : vector<16xf32>
        %add3A_504 = arith.addf %add3A_476, %mul3A_503 : vector<16xf32>
        %add3A_505 = arith.constant 352 : i32
        %add3A_506 = arith.addi %add3A_505, %add3A_427 : i32
        %add3A_507 = vector.broadcast %add3A_506 : i32 to vector<16xi32>
        %add3A_508 = arith.addi %mul3A_86, %add3A_507 : vector<16xi32>
        %gather3A_509 = tpu.vector_load_idx %arg13[%add3A_508] : memref<8192xf32, #tpu.memory_space<vmem>>[vector<16xi32>], vector<16xf32>,
        %mul3A_510 = arith.mulf %gather3A_509, %gather3A_145 : vector<16xf32>
        %add3A_511 = arith.addf %add3A_483, %mul3A_510 : vector<16xf32>
        %add3A_512 = arith.constant 384 : i32
        %add3A_513 = arith.addi %add3A_512, %add3A_427 : i32
        %add3A_514 = vector.broadcast %add3A_513 : i32 to vector<16xi32>
        %add3A_515 = arith.addi %mul3A_86, %add3A_514 : vector<16xi32>
        %gather3A_516 = tpu.vector_load_idx %arg13[%add3A_515] : memref<8192xf32, #tpu.memory_space<vmem>>[vector<16xi32>], vector<16xf32>,
        %mul3A_517 = arith.mulf %gather3A_516, %gather3A_150 : vector<16xf32>
        %add3A_518 = arith.addf %add3A_490, %mul3A_517 : vector<16xf32>
        %add3A_519 = arith.constant 416 : i32
        %add3A_520 = arith.addi %add3A_519, %add3A_427 : i32
        %add3A_521 = vector.broadcast %add3A_520 : i32 to vector<16xi32>
        %add3A_522 = arith.addi %mul3A_86, %add3A_521 : vector<16xi32>
        %gather3A_523 = tpu.vector_load_idx %arg13[%add3A_522] : memref<8192xf32, #tpu.memory_space<vmem>>[vector<16xi32>], vector<16xf32>,
        %mul3A_524 = arith.mulf %gather3A_523, %gather3A_155 : vector<16xf32>
        %add3A_525 = arith.addf %add3A_497, %mul3A_524 : vector<16xf32>
        %add3A_526 = arith.constant 448 : i32
        %add3A_527 = arith.addi %add3A_526, %add3A_427 : i32
        %add3A_528 = vector.broadcast %add3A_527 : i32 to vector<16xi32>
        %add3A_529 = arith.addi %mul3A_86, %add3A_528 : vector<16xi32>
        %gather3A_530 = tpu.vector_load_idx %arg13[%add3A_529] : memref<8192xf32, #tpu.memory_space<vmem>>[vector<16xi32>], vector<16xf32>,
        %mul3A_531 = arith.mulf %gather3A_530, %gather3A_160 : vector<16xf32>
        %add3A_532 = arith.addf %add3A_504, %mul3A_531 : vector<16xf32>
        %add3A_533 = arith.constant 480 : i32
        %add3A_534 = arith.addi %add3A_533, %add3A_427 : i32
        %add3A_535 = vector.broadcast %add3A_534 : i32 to vector<16xi32>
        %add3A_536 = arith.addi %mul3A_86, %add3A_535 : vector<16xi32>
        %gather3A_537 = tpu.vector_load_idx %arg13[%add3A_536] : memref<8192xf32, #tpu.memory_space<vmem>>[vector<16xi32>], vector<16xf32>,
        %mul3A_538 = arith.mulf %gather3A_537, %gather3A_165 : vector<16xf32>
        %add3A_539 = arith.addf %add3A_511, %mul3A_538 : vector<16xf32>
        %add3A_540 = arith.addf %add3A_539, %add3A_518 : vector<16xf32>
        %add3A_541 = arith.addf %add3A_525, %add3A_532 : vector<16xf32>
        %add3A_542 = arith.addf %add3A_540, %add3A_541 : vector<16xf32>
        %mul3A_543 = arith.constant 16 : i32
        %mul3A_544 = arith.muli %add3A_427, %mul3A_543 : i32
        %swap3A_545 = arith.index_cast %mul3A_544 : i32 to index
        %swap3A_546 = tpu.vector_load %arg19[%swap3A_545] {strides = array<i32>} : memref<512xf32, #tpu.memory_space<vmem>>, vector<16xf32>,
        tpu.vector_store %arg19[%swap3A_545], %add3A_542 {strides = array<i32>} : memref<512xf32, #tpu.memory_space<vmem>>, vector<16xf32>,
        %add3A_547 = arith.addf %add3A_421, %add3A_542 : vector<16xf32>
        %mul3A_548 = arith.mulf %add3A_542, %add3A_542 : vector<16xf32>
        %add3A_549 = arith.addf %add3A_423, %mul3A_548 : vector<16xf32>
        scf.yield %add3A_547, %add3A_549 : vector<16xf32>, vector<16xf32>
      }
      %scan3A_175 = arith.constant 16 : i32
      %mul3A_176 = arith.constant 3.125000e-02 : f32
      %mul3A_177 = vector.broadcast %mul3A_176 : f32 to vector<16xf32>
      %mul3A_178 = arith.mulf %scan3A_174#0, %mul3A_177 : vector<16xf32>
      %mul3A_179 = arith.constant 3.125000e-02 : f32
      %mul3A_180 = vector.broadcast %mul3A_179 : f32 to vector<16xf32>
      %mul3A_181 = arith.mulf %scan3A_174#1, %mul3A_180 : vector<16xf32>
      %mul3A_182 = arith.mulf %mul3A_178, %mul3A_178 : vector<16xf32>
      %sub3A = arith.subf %mul3A_181, %mul3A_182 : vector<16xf32>
      %max3A = arith.constant 0.000000e+00 : f32
      %max3A_183 = vector.broadcast %max3A : f32 to vector<16xf32>
      %max3A_184 = arith.maximumf %sub3A, %max3A_183 : vector<16xf32>
      %add3A_185 = arith.constant 1.000000e-10 : f32
      %add3A_186 = vector.broadcast %add3A_185 : f32 to vector<16xf32>
      %add3A_187 = arith.addf %max3A_184, %add3A_186 : vector<16xf32>
      %bitcast3A = vector.bitcast %add3A_187 : vector<16xf32> to vector<16xi32>
      %shift_right_arithmetic3A = arith.constant 1 : i32
      %shift_right_arithmetic3A_188 = vector.broadcast %shift_right_arithmetic3A : i32 to vector<16xi32>
      %shift_right_arithmetic3A_189 = arith.shrsi %bitcast3A, %shift_right_arithmetic3A_188 : vector<16xi32>
      %sub3A_190 = arith.constant 1597463007 : i32
      %sub3A_191 = vector.broadcast %sub3A_190 : i32 to vector<16xi32>
      %sub3A_192 = arith.subi %sub3A_191, %shift_right_arithmetic3A_189 : vector<16xi32>
      %bitcast3A_193 = vector.bitcast %sub3A_192 : vector<16xi32> to vector<16xf32>
      %mul3A_194 = arith.constant 5.000000e-01 : f32
      %mul3A_195 = vector.broadcast %mul3A_194 : f32 to vector<16xf32>
      %mul3A_196 = arith.mulf %mul3A_195, %add3A_187 : vector<16xf32>
      %mul3A_197 = arith.mulf %mul3A_196, %bitcast3A_193 : vector<16xf32>
      %mul3A_198 = arith.mulf %mul3A_197, %bitcast3A_193 : vector<16xf32>
      %sub3A_199 = arith.constant 1.500000e+00 : f32
      %sub3A_200 = vector.broadcast %sub3A_199 : f32 to vector<16xf32>
      %sub3A_201 = arith.subf %sub3A_200, %mul3A_198 : vector<16xf32>
      %mul3A_202 = arith.mulf %bitcast3A_193, %sub3A_201 : vector<16xf32>
      %mul3A_203 = arith.constant 5.000000e-01 : f32
      %mul3A_204 = vector.broadcast %mul3A_203 : f32 to vector<16xf32>
      %mul3A_205 = arith.mulf %mul3A_204, %add3A_187 : vector<16xf32>
      %mul3A_206 = arith.mulf %mul3A_205, %mul3A_202 : vector<16xf32>
      %mul3A_207 = arith.mulf %mul3A_206, %mul3A_202 : vector<16xf32>
      %sub3A_208 = arith.constant 1.500000e+00 : f32
      %sub3A_209 = vector.broadcast %sub3A_208 : f32 to vector<16xf32>
      %sub3A_210 = arith.subf %sub3A_209, %mul3A_207 : vector<16xf32>
      %mul3A_211 = arith.mulf %mul3A_202, %sub3A_210 : vector<16xf32>
      %mul3A_212 = arith.constant 1.000000e-10 : f32
      %mul3A_213 = vector.broadcast %mul3A_212 : f32 to vector<16xf32>
      %mul3A_214 = arith.mulf %mul3A_213, %mul3A_211 : vector<16xf32>
      %mul3A_215 = arith.mulf %mul3A_214, %mul3A_211 : vector<16xf32>
      %sub3A_216 = arith.subf %mul3A_211, %mul3A_215 : vector<16xf32>
      %get3A_217 = arith.constant 0 : index
      %get3A_218 = tpu.vector_load %arg18[%get3A_217] {strides = array<i32>} : memref<16xf32, #tpu.memory_space<vmem>>, vector<16xf32>,
      %broadcast_in_dim3A_219 = arith.constant 0.000000e+00 : f32
      %broadcast_in_dim3A_220 = vector.broadcast %broadcast_in_dim3A_219 : f32 to vector<16xf32>
      %scan3A_221 = arith.constant 0 : i32
      %scan3A_222 = arith.constant 16 : i32
      %scan3A_223 = arith.addi %scan3A_221, %scan3A_222 : i32
      %scan3A_224 = arith.constant 1 : i32
      %scan3A_225:2 = scf.for %scan3A_295 = %scan3A_221 to %scan3A_223 step %scan3A_224 iter_args(%scan3A_296 = %get3A_218, %scan3A_297 = %broadcast_in_dim3A_220) -> (vector<16xf32>, vector<16xf32>)  : i32 {
        %mul3A_298 = arith.constant 2 : i32
        %mul3A_299 = arith.muli %scan3A_295, %mul3A_298 : i32
        %add3A_300 = arith.constant 0 : i32
        %add3A_301 = arith.addi %mul3A_299, %add3A_300 : i32
        %mul3A_302 = arith.constant 16 : i32
        %mul3A_303 = arith.muli %add3A_301, %mul3A_302 : i32
        %get3A_304 = arith.index_cast %mul3A_303 : i32 to index
        %get3A_305 = tpu.vector_load %arg19[%get3A_304] {strides = array<i32>} : memref<512xf32, #tpu.memory_space<vmem>>, vector<16xf32>,
        %sub3A_306 = arith.subf %get3A_305, %mul3A_178 : vector<16xf32>
        %mul3A_307 = arith.mulf %sub3A_306, %sub3A_216 : vector<16xf32>
        %neg3A = arith.constant 0.000000e+00 : f32
        %neg3A_308 = vector.broadcast %neg3A : f32 to vector<16xf32>
        %neg3A_309 = arith.subf %neg3A_308, %mul3A_307 : vector<16xf32>
        %exp3A = math.exp %neg3A_309 : vector<16xf32>
        %add3A_310 = arith.constant 1.000000e+00 : f32
        %add3A_311 = vector.broadcast %add3A_310 : f32 to vector<16xf32>
        %add3A_312 = arith.addf %add3A_311, %exp3A : vector<16xf32>
        %bitcast3A_313 = vector.bitcast %add3A_312 : vector<16xf32> to vector<16xi32>
        %sub3A_314 = arith.constant 2129859011 : i32
        %sub3A_315 = vector.broadcast %sub3A_314 : i32 to vector<16xi32>
        %sub3A_316 = arith.subi %sub3A_315, %bitcast3A_313 : vector<16xi32>
        %bitcast3A_317 = vector.bitcast %sub3A_316 : vector<16xi32> to vector<16xf32>
        %mul3A_318 = arith.mulf %add3A_312, %bitcast3A_317 : vector<16xf32>
        %sub3A_319 = arith.constant 2.000000e+00 : f32
        %sub3A_320 = vector.broadcast %sub3A_319 : f32 to vector<16xf32>
        %sub3A_321 = arith.subf %sub3A_320, %mul3A_318 : vector<16xf32>
        %mul3A_322 = arith.mulf %bitcast3A_317, %sub3A_321 : vector<16xf32>
        %mul3A_323 = arith.mulf %add3A_312, %mul3A_322 : vector<16xf32>
        %sub3A_324 = arith.constant 2.000000e+00 : f32
        %sub3A_325 = vector.broadcast %sub3A_324 : f32 to vector<16xf32>
        %sub3A_326 = arith.subf %sub3A_325, %mul3A_323 : vector<16xf32>
        %mul3A_327 = arith.mulf %mul3A_322, %sub3A_326 : vector<16xf32>
        %mul3A_328 = arith.constant 16 : i32
        %mul3A_329 = arith.muli %add3A_301, %mul3A_328 : i32
        %get3A_330 = arith.index_cast %mul3A_329 : i32 to index
        %get3A_331 = tpu.vector_load %arg15[%get3A_330] {strides = array<i32>} : memref<512xf32, #tpu.memory_space<vmem>>, vector<16xf32>,
        %mul3A_332 = arith.constant 16 : i32
        %mul3A_333 = arith.muli %add3A_301, %mul3A_332 : i32
        %get3A_334 = arith.index_cast %mul3A_333 : i32 to index
        %get3A_335 = tpu.vector_load %arg16[%get3A_334] {strides = array<i32>} : memref<512xf32, #tpu.memory_space<vmem>>, vector<16xf32>,
        %mul3A_336 = arith.constant 16 : i32
        %mul3A_337 = arith.muli %add3A_301, %mul3A_336 : i32
        %get3A_338 = arith.index_cast %mul3A_337 : i32 to index
        %get3A_339 = tpu.vector_load %arg17[%get3A_338] {strides = array<i32>} : memref<512xf32, #tpu.memory_space<vmem>>, vector<16xf32>,
        %mul3A_340 = arith.mulf %get3A_335, %mul3A_327 : vector<16xf32>
        %add3A_341 = arith.addf %get3A_331, %mul3A_340 : vector<16xf32>
        %mul3A_342 = arith.mulf %get3A_305, %add3A_341 : vector<16xf32>
        %mul3A_343 = arith.mulf %mul3A_342, %get3A_339 : vector<16xf32>
        %mul3A_344 = arith.constant 2 : i32
        %mul3A_345 = arith.muli %scan3A_295, %mul3A_344 : i32
        %add3A_346 = arith.constant 1 : i32
        %add3A_347 = arith.addi %mul3A_345, %add3A_346 : i32
        %mul3A_348 = arith.constant 16 : i32
        %mul3A_349 = arith.muli %add3A_347, %mul3A_348 : i32
        %get3A_350 = arith.index_cast %mul3A_349 : i32 to index
        %get3A_351 = tpu.vector_load %arg19[%get3A_350] {strides = array<i32>} : memref<512xf32, #tpu.memory_space<vmem>>, vector<16xf32>,
        %sub3A_352 = arith.subf %get3A_351, %mul3A_178 : vector<16xf32>
        %mul3A_353 = arith.mulf %sub3A_352, %sub3A_216 : vector<16xf32>
        %neg3A_354 = arith.constant 0.000000e+00 : f32
        %neg3A_355 = vector.broadcast %neg3A_354 : f32 to vector<16xf32>
        %neg3A_356 = arith.subf %neg3A_355, %mul3A_353 : vector<16xf32>
        %exp3A_357 = math.exp %neg3A_356 : vector<16xf32>
        %add3A_358 = arith.constant 1.000000e+00 : f32
        %add3A_359 = vector.broadcast %add3A_358 : f32 to vector<16xf32>
        %add3A_360 = arith.addf %add3A_359, %exp3A_357 : vector<16xf32>
        %bitcast3A_361 = vector.bitcast %add3A_360 : vector<16xf32> to vector<16xi32>
        %sub3A_362 = arith.constant 2129859011 : i32
        %sub3A_363 = vector.broadcast %sub3A_362 : i32 to vector<16xi32>
        %sub3A_364 = arith.subi %sub3A_363, %bitcast3A_361 : vector<16xi32>
        %bitcast3A_365 = vector.bitcast %sub3A_364 : vector<16xi32> to vector<16xf32>
        %mul3A_366 = arith.mulf %add3A_360, %bitcast3A_365 : vector<16xf32>
        %sub3A_367 = arith.constant 2.000000e+00 : f32
        %sub3A_368 = vector.broadcast %sub3A_367 : f32 to vector<16xf32>
        %sub3A_369 = arith.subf %sub3A_368, %mul3A_366 : vector<16xf32>
        %mul3A_370 = arith.mulf %bitcast3A_365, %sub3A_369 : vector<16xf32>
        %mul3A_371 = arith.mulf %add3A_360, %mul3A_370 : vector<16xf32>
        %sub3A_372 = arith.constant 2.000000e+00 : f32
        %sub3A_373 = vector.broadcast %sub3A_372 : f32 to vector<16xf32>
        %sub3A_374 = arith.subf %sub3A_373, %mul3A_371 : vector<16xf32>
        %mul3A_375 = arith.mulf %mul3A_370, %sub3A_374 : vector<16xf32>
        %mul3A_376 = arith.constant 16 : i32
        %mul3A_377 = arith.muli %add3A_347, %mul3A_376 : i32
        %get3A_378 = arith.index_cast %mul3A_377 : i32 to index
        %get3A_379 = tpu.vector_load %arg15[%get3A_378] {strides = array<i32>} : memref<512xf32, #tpu.memory_space<vmem>>, vector<16xf32>,
        %mul3A_380 = arith.constant 16 : i32
        %mul3A_381 = arith.muli %add3A_347, %mul3A_380 : i32
        %get3A_382 = arith.index_cast %mul3A_381 : i32 to index
        %get3A_383 = tpu.vector_load %arg16[%get3A_382] {strides = array<i32>} : memref<512xf32, #tpu.memory_space<vmem>>, vector<16xf32>,
        %mul3A_384 = arith.constant 16 : i32
        %mul3A_385 = arith.muli %add3A_347, %mul3A_384 : i32
        %get3A_386 = arith.index_cast %mul3A_385 : i32 to index
        %get3A_387 = tpu.vector_load %arg17[%get3A_386] {strides = array<i32>} : memref<512xf32, #tpu.memory_space<vmem>>, vector<16xf32>,
        %mul3A_388 = arith.mulf %get3A_383, %mul3A_375 : vector<16xf32>
        %add3A_389 = arith.addf %get3A_379, %mul3A_388 : vector<16xf32>
        %mul3A_390 = arith.mulf %get3A_351, %add3A_389 : vector<16xf32>
        %mul3A_391 = arith.mulf %mul3A_390, %get3A_387 : vector<16xf32>
        %add3A_392 = arith.addf %scan3A_296, %mul3A_343 : vector<16xf32>
        %add3A_393 = arith.addf %scan3A_297, %mul3A_391 : vector<16xf32>
        scf.yield %add3A_392, %add3A_393 : vector<16xf32>, vector<16xf32>
      }
      %scan3A_226 = arith.constant 16 : i32
      %add3A_227 = arith.addf %scan3A_225#0, %scan3A_225#1 : vector<16xf32>
      %mul3A_228 = arith.constant 16 : i32
      %mul3A_229 = vector.broadcast %mul3A_228 : i32 to vector<16xi32>
      %mul3A_230 = arith.muli %get3A_80, %mul3A_229 : vector<16xi32>
      %add3A_231 = arith.constant 0 : i32
      %add3A_232 = vector.broadcast %add3A_231 : i32 to vector<16xi32>
      %add3A_233 = arith.addi %mul3A_230, %add3A_232 : vector<16xi32>
      %mul3A_234 = arith.mulf %gather3A, %add3A_227 : vector<16xf32>
      tpu.vector_store_idx %arg20[%add3A_233], %mul3A_234 {add = true} : memref<256xf32, #tpu.memory_space<vmem>>[vector<16xi32>], vector<16xf32>,
      %add3A_235 = arith.constant 1 : i32
      %add3A_236 = vector.broadcast %add3A_235 : i32 to vector<16xi32>
      %add3A_237 = arith.addi %mul3A_230, %add3A_236 : vector<16xi32>
      %mul3A_238 = arith.mulf %gather3A_95, %add3A_227 : vector<16xf32>
      tpu.vector_store_idx %arg20[%add3A_237], %mul3A_238 {add = true} : memref<256xf32, #tpu.memory_space<vmem>>[vector<16xi32>], vector<16xf32>,
      %add3A_239 = arith.constant 2 : i32
      %add3A_240 = vector.broadcast %add3A_239 : i32 to vector<16xi32>
      %add3A_241 = arith.addi %mul3A_230, %add3A_240 : vector<16xi32>
      %mul3A_242 = arith.mulf %gather3A_100, %add3A_227 : vector<16xf32>
      tpu.vector_store_idx %arg20[%add3A_241], %mul3A_242 {add = true} : memref<256xf32, #tpu.memory_space<vmem>>[vector<16xi32>], vector<16xf32>,
      %add3A_243 = arith.constant 3 : i32
      %add3A_244 = vector.broadcast %add3A_243 : i32 to vector<16xi32>
      %add3A_245 = arith.addi %mul3A_230, %add3A_244 : vector<16xi32>
      %mul3A_246 = arith.mulf %gather3A_105, %add3A_227 : vector<16xf32>
      tpu.vector_store_idx %arg20[%add3A_245], %mul3A_246 {add = true} : memref<256xf32, #tpu.memory_space<vmem>>[vector<16xi32>], vector<16xf32>,
      %add3A_247 = arith.constant 4 : i32
      %add3A_248 = vector.broadcast %add3A_247 : i32 to vector<16xi32>
      %add3A_249 = arith.addi %mul3A_230, %add3A_248 : vector<16xi32>
      %mul3A_250 = arith.mulf %gather3A_110, %add3A_227 : vector<16xf32>
      tpu.vector_store_idx %arg20[%add3A_249], %mul3A_250 {add = true} : memref<256xf32, #tpu.memory_space<vmem>>[vector<16xi32>], vector<16xf32>,
      %add3A_251 = arith.constant 5 : i32
      %add3A_252 = vector.broadcast %add3A_251 : i32 to vector<16xi32>
      %add3A_253 = arith.addi %mul3A_230, %add3A_252 : vector<16xi32>
      %mul3A_254 = arith.mulf %gather3A_115, %add3A_227 : vector<16xf32>
      tpu.vector_store_idx %arg20[%add3A_253], %mul3A_254 {add = true} : memref<256xf32, #tpu.memory_space<vmem>>[vector<16xi32>], vector<16xf32>,
      %add3A_255 = arith.constant 6 : i32
      %add3A_256 = vector.broadcast %add3A_255 : i32 to vector<16xi32>
      %add3A_257 = arith.addi %mul3A_230, %add3A_256 : vector<16xi32>
      %mul3A_258 = arith.mulf %gather3A_120, %add3A_227 : vector<16xf32>
      tpu.vector_store_idx %arg20[%add3A_257], %mul3A_258 {add = true} : memref<256xf32, #tpu.memory_space<vmem>>[vector<16xi32>], vector<16xf32>,
      %add3A_259 = arith.constant 7 : i32
      %add3A_260 = vector.broadcast %add3A_259 : i32 to vector<16xi32>
      %add3A_261 = arith.addi %mul3A_230, %add3A_260 : vector<16xi32>
      %mul3A_262 = arith.mulf %gather3A_125, %add3A_227 : vector<16xf32>
      tpu.vector_store_idx %arg20[%add3A_261], %mul3A_262 {add = true} : memref<256xf32, #tpu.memory_space<vmem>>[vector<16xi32>], vector<16xf32>,
      %add3A_263 = arith.constant 8 : i32
      %add3A_264 = vector.broadcast %add3A_263 : i32 to vector<16xi32>
      %add3A_265 = arith.addi %mul3A_230, %add3A_264 : vector<16xi32>
      %mul3A_266 = arith.mulf %gather3A_130, %add3A_227 : vector<16xf32>
      tpu.vector_store_idx %arg20[%add3A_265], %mul3A_266 {add = true} : memref<256xf32, #tpu.memory_space<vmem>>[vector<16xi32>], vector<16xf32>,
      %add3A_267 = arith.constant 9 : i32
      %add3A_268 = vector.broadcast %add3A_267 : i32 to vector<16xi32>
      %add3A_269 = arith.addi %mul3A_230, %add3A_268 : vector<16xi32>
      %mul3A_270 = arith.mulf %gather3A_135, %add3A_227 : vector<16xf32>
      tpu.vector_store_idx %arg20[%add3A_269], %mul3A_270 {add = true} : memref<256xf32, #tpu.memory_space<vmem>>[vector<16xi32>], vector<16xf32>,
      %add3A_271 = arith.constant 10 : i32
      %add3A_272 = vector.broadcast %add3A_271 : i32 to vector<16xi32>
      %add3A_273 = arith.addi %mul3A_230, %add3A_272 : vector<16xi32>
      %mul3A_274 = arith.mulf %gather3A_140, %add3A_227 : vector<16xf32>
      tpu.vector_store_idx %arg20[%add3A_273], %mul3A_274 {add = true} : memref<256xf32, #tpu.memory_space<vmem>>[vector<16xi32>], vector<16xf32>,
      %add3A_275 = arith.constant 11 : i32
      %add3A_276 = vector.broadcast %add3A_275 : i32 to vector<16xi32>
      %add3A_277 = arith.addi %mul3A_230, %add3A_276 : vector<16xi32>
      %mul3A_278 = arith.mulf %gather3A_145, %add3A_227 : vector<16xf32>
      tpu.vector_store_idx %arg20[%add3A_277], %mul3A_278 {add = true} : memref<256xf32, #tpu.memory_space<vmem>>[vector<16xi32>], vector<16xf32>,
      %add3A_279 = arith.constant 12 : i32
      %add3A_280 = vector.broadcast %add3A_279 : i32 to vector<16xi32>
      %add3A_281 = arith.addi %mul3A_230, %add3A_280 : vector<16xi32>
      %mul3A_282 = arith.mulf %gather3A_150, %add3A_227 : vector<16xf32>
      tpu.vector_store_idx %arg20[%add3A_281], %mul3A_282 {add = true} : memref<256xf32, #tpu.memory_space<vmem>>[vector<16xi32>], vector<16xf32>,
      %add3A_283 = arith.constant 13 : i32
      %add3A_284 = vector.broadcast %add3A_283 : i32 to vector<16xi32>
      %add3A_285 = arith.addi %mul3A_230, %add3A_284 : vector<16xi32>
      %mul3A_286 = arith.mulf %gather3A_155, %add3A_227 : vector<16xf32>
      tpu.vector_store_idx %arg20[%add3A_285], %mul3A_286 {add = true} : memref<256xf32, #tpu.memory_space<vmem>>[vector<16xi32>], vector<16xf32>,
      %add3A_287 = arith.constant 14 : i32
      %add3A_288 = vector.broadcast %add3A_287 : i32 to vector<16xi32>
      %add3A_289 = arith.addi %mul3A_230, %add3A_288 : vector<16xi32>
      %mul3A_290 = arith.mulf %gather3A_160, %add3A_227 : vector<16xf32>
      tpu.vector_store_idx %arg20[%add3A_289], %mul3A_290 {add = true} : memref<256xf32, #tpu.memory_space<vmem>>[vector<16xi32>], vector<16xf32>,
      %add3A_291 = arith.constant 15 : i32
      %add3A_292 = vector.broadcast %add3A_291 : i32 to vector<16xi32>
      %add3A_293 = arith.addi %mul3A_230, %add3A_292 : vector<16xi32>
      %mul3A_294 = arith.mulf %gather3A_165, %add3A_227 : vector<16xf32>
      tpu.vector_store_idx %arg20[%add3A_293], %mul3A_294 {add = true} : memref<256xf32, #tpu.memory_space<vmem>>[vector<16xi32>], vector<16xf32>,
    }
    %scan3A_74 = arith.constant 16 : i32
    "tpu.region"() ({
      %run_scoped3A = tpu.sem_alloc : memref<!tpu.dma_semaphore, #tpu.memory_space<semaphore_mem>>
      %dma_start3A = arith.constant 0 : i32
      %dma_start3A_75 = tpu.memref_slice %arg10[%add3A, %dma_start3A] : memref<32x256xf32, #tpu.memory_space<hbm>> -> memref<1x256xf32, #tpu.memory_space<hbm>>
      %dma_start3A_76 = tpu.memref_squeeze %dma_start3A_75 : memref<1x256xf32, #tpu.memory_space<hbm>> -> memref<256xf32, #tpu.memory_space<hbm>>
      %dma_start3A_77 = arith.constant 0 : i32
      %dma_start3A_78 = tpu.memref_slice %arg10[%add3A, %dma_start3A_77] : memref<32x256xf32, #tpu.memory_space<hbm>> -> memref<1x256xf32, #tpu.memory_space<hbm>>
      %dma_start3A_79 = tpu.memref_squeeze %dma_start3A_78 : memref<1x256xf32, #tpu.memory_space<hbm>> -> memref<256xf32, #tpu.memory_space<hbm>>
      tpu.enqueue_dma source(%arg20 : memref<256xf32, #tpu.memory_space<vmem>>) target(%dma_start3A_79 : memref<256xf32, #tpu.memory_space<hbm>>) target_semaphore(%run_scoped3A : memref<!tpu.dma_semaphore, #tpu.memory_space<semaphore_mem>>)
      %dma_wait3A = arith.constant 0 : i32
      %dma_wait3A_80 = tpu.memref_slice %arg10[%add3A, %dma_wait3A] : memref<32x256xf32, #tpu.memory_space<hbm>> -> memref<1x256xf32, #tpu.memory_space<hbm>>
      %dma_wait3A_81 = tpu.memref_squeeze %dma_wait3A_80 : memref<1x256xf32, #tpu.memory_space<hbm>> -> memref<256xf32, #tpu.memory_space<hbm>>
      %dma_wait3A_82 = arith.constant 0 : i32
      %dma_wait3A_83 = tpu.memref_slice %arg10[%add3A, %dma_wait3A_82] : memref<32x256xf32, #tpu.memory_space<hbm>> -> memref<1x256xf32, #tpu.memory_space<hbm>>
      %dma_wait3A_84 = tpu.memref_squeeze %dma_wait3A_83 : memref<1x256xf32, #tpu.memory_space<hbm>> -> memref<256xf32, #tpu.memory_space<hbm>>
      tpu.wait_dma2 semaphore(%run_scoped3A : memref<!tpu.dma_semaphore, #tpu.memory_space<semaphore_mem>>) src(%arg20 : memref<256xf32, #tpu.memory_space<vmem>>) dst(%dma_wait3A_84 : memref<256xf32, #tpu.memory_space<hbm>>)
      tpu.yield
    }) : () -> ()
    return
  }
}

module attributes {stable_mosaic.version = 14 : i64} {
  func.func @_prologue_body(%arg0: memref<16x16xf32, #tpu.memory_space<vmem>>, %arg1: memref<288x32xf32, #tpu.memory_space<vmem>>, %arg2: memref<1x32xf32, #tpu.memory_space<vmem>>, %arg3: memref<256x16xf32, #tpu.memory_space<vmem>>, %arg4: memref<256x16xf32, #tpu.memory_space<vmem>>, %arg5: memref<16x256xf32, #tpu.memory_space<vmem>>, %arg6: memref<256x256xf32, #tpu.memory_space<vmem>>, %arg7: memref<256x32xf32, #tpu.memory_space<vmem>>, %arg8: memref<16x32xf32, #tpu.memory_space<vmem>>) attributes {dimension_semantics = [], scalar_prefetch = 0 : i64, scratch_operands = 0 : i64, tpu.core_type = #tpu.core_type<tc>} {
    %get3A = arith.constant 0 : index
    %get3A_0 = arith.constant 0 : index
    %get3A_1 = vector.load %arg1[%get3A, %get3A_0] : memref<288x32xf32, #tpu.memory_space<vmem>>, vector<16x32xf32>
    %get3A_2 = arith.constant 16 : index
    %get3A_3 = arith.constant 0 : index
    %get3A_4 = vector.load %arg1[%get3A_2, %get3A_3] : memref<288x32xf32, #tpu.memory_space<vmem>>, vector<16x32xf32>
    %get3A_5 = arith.constant 32 : index
    %get3A_6 = arith.constant 0 : index
    %get3A_7 = vector.load %arg1[%get3A_5, %get3A_6] : memref<288x32xf32, #tpu.memory_space<vmem>>, vector<256x32xf32>
    %get3A_8 = arith.constant 0 : index
    %get3A_9 = arith.constant 0 : index
    %get3A_10 = vector.load %arg0[%get3A_8, %get3A_9] : memref<16x16xf32, #tpu.memory_space<vmem>>, vector<16x16xf32>
    %get3A_11 = arith.constant 0 : index
    %get3A_12 = arith.constant 0 : index
    %get3A_13 = vector.load %arg5[%get3A_11, %get3A_12] : memref<16x256xf32, #tpu.memory_space<vmem>>, vector<16x256xf32>
    %dot_general3A = arith.constant dense<0.000000e+00> : vector<16x256xf32>
    %dot_general3A_14 = tpu.matmul %get3A_10, %get3A_13, %dot_general3A {dimension_numbers = #tpu.dot_dimension_numbers<[1], [0], [0], [1], [0, 0, 1, 1], [], []>, transpose_lhs_hint = false} : vector<16x16xf32>, vector<16x256xf32>, vector<16x256xf32> -> vector<16x256xf32>
    %get3A_15 = arith.constant 0 : index
    %get3A_16 = arith.constant 0 : index
    %get3A_17 = vector.load %arg3[%get3A_15, %get3A_16] : memref<256x16xf32, #tpu.memory_space<vmem>>, vector<256x16xf32>
    %dot_general3A_18 = arith.constant dense<0.000000e+00> : vector<256x256xf32>
    %dot_general3A_19 = tpu.matmul %get3A_17, %dot_general3A_14, %dot_general3A_18 {dimension_numbers = #tpu.dot_dimension_numbers<[1], [0], [0], [1], [0, 0, 1, 1], [], []>, transpose_lhs_hint = false} : vector<256x16xf32>, vector<16x256xf32>, vector<256x256xf32> -> vector<256x256xf32>
    %get3A_20 = arith.constant 0 : index
    %get3A_21 = arith.constant 0 : index
    %get3A_22 = vector.load %arg6[%get3A_20, %get3A_21] : memref<256x256xf32, #tpu.memory_space<vmem>>, vector<256x256xf32>
    %mul3A = arith.mulf %dot_general3A_19, %get3A_22 : vector<256x256xf32>
    %dot_general3A_23 = arith.constant dense<0.000000e+00> : vector<256x32xf32>
    %dot_general3A_24 = tpu.matmul %mul3A, %get3A_7, %dot_general3A_23 {dimension_numbers = #tpu.dot_dimension_numbers<[1], [0], [0], [1], [0, 0, 1, 1], [], []>, transpose_lhs_hint = false} : vector<256x256xf32>, vector<256x32xf32>, vector<256x32xf32> -> vector<256x32xf32>
    %get3A_25 = arith.constant 0 : index
    %get3A_26 = arith.constant 0 : index
    %get3A_27 = vector.load %arg4[%get3A_25, %get3A_26] : memref<256x16xf32, #tpu.memory_space<vmem>>, vector<256x16xf32>
    %dot_general3A_28 = arith.constant dense<0.000000e+00> : vector<256x32xf32>
    %dot_general3A_29 = tpu.matmul %get3A_27, %get3A_4, %dot_general3A_28 {dimension_numbers = #tpu.dot_dimension_numbers<[1], [0], [0], [1], [0, 0, 1, 1], [], []>, transpose_lhs_hint = false} : vector<256x16xf32>, vector<16x32xf32>, vector<256x32xf32> -> vector<256x32xf32>
    %add3A = arith.addf %dot_general3A_24, %dot_general3A_29 : vector<256x32xf32>
    %swap3A = arith.constant 0 : index
    %swap3A_30 = arith.constant 0 : index
    %swap3A_31 = vector.load %arg7[%swap3A, %swap3A_30] : memref<256x32xf32, #tpu.memory_space<vmem>>, vector<256x32xf32>
    tpu.vector_store %arg7[%swap3A, %swap3A_30], %add3A {strides = array<i32>} : memref<256x32xf32, #tpu.memory_space<vmem>>, vector<256x32xf32>,
    %dot_general3A_32 = arith.constant dense<0.000000e+00> : vector<16x32xf32>
    %dot_general3A_33 = tpu.matmul %get3A_10, %get3A_1, %dot_general3A_32 {dimension_numbers = #tpu.dot_dimension_numbers<[1], [0], [0], [1], [0, 0, 1, 1], [], []>, transpose_lhs_hint = false} : vector<16x16xf32>, vector<16x32xf32>, vector<16x32xf32> -> vector<16x32xf32>
    %get3A_34 = arith.constant 0 : index
    %get3A_35 = arith.constant 0 : index
    %get3A_36 = vector.load %arg2[%get3A_34, %get3A_35] : memref<1x32xf32, #tpu.memory_space<vmem>>, vector<1x32xf32>
    %add3A_37 = vector.broadcast %get3A_36 : vector<1x32xf32> to vector<16x32xf32>
    %add3A_38 = arith.addf %dot_general3A_33, %add3A_37 : vector<16x32xf32>
    %swap3A_39 = arith.constant 0 : index
    %swap3A_40 = arith.constant 0 : index
    %swap3A_41 = vector.load %arg8[%swap3A_39, %swap3A_40] : memref<16x32xf32, #tpu.memory_space<vmem>>, vector<16x32xf32>
    tpu.vector_store %arg8[%swap3A_39, %swap3A_40], %add3A_38 {strides = array<i32>} : memref<16x32xf32, #tpu.memory_space<vmem>>, vector<16x32xf32>,
    return
  }
}

module attributes {stable_mosaic.version = 14 : i64} {
  func.func @_tc_body(%arg0: i32, %arg1: memref<16x16xf32, #tpu.memory_space<vmem>>, %arg2: memref<4096x16xf32, #tpu.memory_space<vmem>>, %arg3: memref<4096x1xi32, #tpu.memory_space<vmem>>, %arg4: memref<288x32xf32, #tpu.memory_space<vmem>>, %arg5: memref<1x32xf32, #tpu.memory_space<vmem>>, %arg6: memref<1x32xf32, #tpu.memory_space<vmem>>, %arg7: memref<32x16xf32, #tpu.memory_space<vmem>>, %arg8: memref<1x1xf32, #tpu.memory_space<vmem>>, %arg9: memref<16x256xf32, #tpu.memory_space<vmem>>, %arg10: memref<16x256xf32, #tpu.memory_space<vmem>>, %arg11: memref<16x16xf32, #tpu.memory_space<vmem>>) attributes {dimension_semantics = [#tpu.dimension_semantics<arbitrary>], iteration_bounds = array<i64: 6>, scalar_prefetch = 0 : i64, scratch_operands = 0 : i64, tpu.core_type = #tpu.core_type<tc>, window_params = [{pipeline_mode = #tpu.pipeline_mode<synchronous>, transform_indices = @transform_0, window_bounds = array<i64: 16, 16>}, {transform_indices = @transform_1, window_bounds = array<i64: 4096, 16>}, {transform_indices = @transform_2, window_bounds = array<i64: 4096, 1>}, {pipeline_mode = #tpu.pipeline_mode<synchronous>, transform_indices = @transform_3, window_bounds = array<i64: 288, 32>}, {pipeline_mode = #tpu.pipeline_mode<synchronous>, transform_indices = @transform_4, window_bounds = array<i64: 1, 32>}, {pipeline_mode = #tpu.pipeline_mode<synchronous>, transform_indices = @transform_5, window_bounds = array<i64: 1, 32>}, {pipeline_mode = #tpu.pipeline_mode<synchronous>, transform_indices = @transform_6, window_bounds = array<i64: 32, 16>}, {pipeline_mode = #tpu.pipeline_mode<synchronous>, transform_indices = @transform_7, window_bounds = array<i64: 1, 1>}, {pipeline_mode = #tpu.pipeline_mode<synchronous>, transform_indices = @transform_8, window_bounds = array<i64: 16, 256>}, {pipeline_mode = #tpu.pipeline_mode<synchronous>, transform_indices = @transform_9, window_bounds = array<i64: 16, 256>}, {pipeline_mode = #tpu.pipeline_mode<synchronous>, transform_indices = @transform_10, window_bounds = array<i64: 16, 16>}]} {
    %get3A = arith.constant 0 : index
    %get3A_0 = arith.constant 0 : index
    %get3A_1 = vector.load %arg2[%get3A, %get3A_0] : memref<4096x16xf32, #tpu.memory_space<vmem>>, vector<4096x16xf32>
    %get3A_2 = arith.constant 0 : index
    %get3A_3 = arith.constant 0 : index
    %get3A_4 = vector.load %arg3[%get3A_2, %get3A_3] : memref<4096x1xi32, #tpu.memory_space<vmem>>, vector<4096x1xi32>
    %iota3A = tpu.iota {dimensions = array<i32: 1>} : vector<4096x16xi32>
    %eq3A = vector.broadcast %get3A_4 : vector<4096x1xi32> to vector<4096x16xi32>
    %eq3A_5 = arith.cmpi eq, %eq3A, %iota3A : vector<4096x16xi32>
    %convert_element_type3A = arith.extui %eq3A_5 : vector<4096x16xi1> to vector<4096x16xi32>
    %convert_element_type3A_6 = arith.sitofp %convert_element_type3A : vector<4096x16xi32> to vector<4096x16xf32>
    %get3A_7 = arith.constant 0 : index
    %get3A_8 = arith.constant 0 : index
    %get3A_9 = vector.load %arg4[%get3A_7, %get3A_8] : memref<288x32xf32, #tpu.memory_space<vmem>>, vector<16x32xf32>
    %get3A_10 = arith.constant 16 : index
    %get3A_11 = arith.constant 0 : index
    %get3A_12 = vector.load %arg4[%get3A_10, %get3A_11] : memref<288x32xf32, #tpu.memory_space<vmem>>, vector<16x32xf32>
    %get3A_13 = arith.constant 32 : index
    %get3A_14 = arith.constant 0 : index
    %get3A_15 = vector.load %arg4[%get3A_13, %get3A_14] : memref<288x32xf32, #tpu.memory_space<vmem>>, vector<256x32xf32>
    %get3A_16 = arith.constant 0 : index
    %get3A_17 = arith.constant 0 : index
    %get3A_18 = vector.load %arg1[%get3A_16, %get3A_17] : memref<16x16xf32, #tpu.memory_space<vmem>>, vector<16x16xf32>
    %get3A_19 = arith.constant 0 : index
    %get3A_20 = arith.constant 0 : index
    %get3A_21 = vector.load %arg10[%get3A_19, %get3A_20] : memref<16x256xf32, #tpu.memory_space<vmem>>, vector<16x256xf32>
    %dot_general3A = arith.constant dense<0.000000e+00> : vector<16x256xf32>
    %dot_general3A_22 = tpu.matmul %get3A_18, %get3A_21, %dot_general3A {dimension_numbers = #tpu.dot_dimension_numbers<[1], [0], [0], [1], [0, 0, 1, 1], [], []>, transpose_lhs_hint = false} : vector<16x16xf32>, vector<16x256xf32>, vector<16x256xf32> -> vector<16x256xf32>
    %dot_general3A_23 = arith.constant dense<0.000000e+00> : vector<16x32xf32>
    %dot_general3A_24 = tpu.matmul %get3A_18, %get3A_9, %dot_general3A_23 {dimension_numbers = #tpu.dot_dimension_numbers<[1], [0], [0], [1], [0, 0, 1, 1], [], []>, transpose_lhs_hint = false} : vector<16x16xf32>, vector<16x32xf32>, vector<16x32xf32> -> vector<16x32xf32>
    %get3A_25 = arith.constant 0 : index
    %get3A_26 = arith.constant 0 : index
    %get3A_27 = vector.load %arg5[%get3A_25, %get3A_26] : memref<1x32xf32, #tpu.memory_space<vmem>>, vector<1x32xf32>
    %add3A = vector.broadcast %get3A_27 : vector<1x32xf32> to vector<16x32xf32>
    %add3A_28 = arith.addf %dot_general3A_24, %add3A : vector<16x32xf32>
    %get3A_29 = arith.constant 0 : index
    %get3A_30 = arith.constant 0 : index
    %get3A_31 = vector.load %arg9[%get3A_29, %get3A_30] : memref<16x256xf32, #tpu.memory_space<vmem>>, vector<16x256xf32>
    %dot_general3A_32 = arith.constant dense<0.000000e+00> : vector<4096x256xf32>
    %dot_general3A_33 = tpu.matmul %get3A_1, %get3A_31, %dot_general3A_32 {dimension_numbers = #tpu.dot_dimension_numbers<[1], [0], [0], [1], [0, 0, 1, 1], [], []>, transpose_lhs_hint = false} : vector<4096x16xf32>, vector<16x256xf32>, vector<4096x256xf32> -> vector<4096x256xf32>
    %dot_general3A_34 = arith.constant dense<0.000000e+00> : vector<4096x256xf32>
    %dot_general3A_35 = tpu.matmul %convert_element_type3A_6, %dot_general3A_22, %dot_general3A_34 {dimension_numbers = #tpu.dot_dimension_numbers<[1], [0], [0], [1], [0, 0, 1, 1], [], []>, transpose_lhs_hint = false} : vector<4096x16xf32>, vector<16x256xf32>, vector<4096x256xf32> -> vector<4096x256xf32>
    %mul3A = arith.mulf %dot_general3A_33, %dot_general3A_35 : vector<4096x256xf32>
    %dot_general3A_36 = arith.constant dense<0.000000e+00> : vector<4096x32xf32>
    %dot_general3A_37 = tpu.matmul %mul3A, %get3A_15, %dot_general3A_36 {dimension_numbers = #tpu.dot_dimension_numbers<[1], [0], [0], [1], [0, 0, 1, 1], [], []>, transpose_lhs_hint = false} : vector<4096x256xf32>, vector<256x32xf32>, vector<4096x32xf32> -> vector<4096x32xf32>
    %dot_general3A_38 = arith.constant dense<0.000000e+00> : vector<4096x32xf32>
    %dot_general3A_39 = tpu.matmul %get3A_1, %get3A_12, %dot_general3A_38 {dimension_numbers = #tpu.dot_dimension_numbers<[1], [0], [0], [1], [0, 0, 1, 1], [], []>, transpose_lhs_hint = false} : vector<4096x16xf32>, vector<16x32xf32>, vector<4096x32xf32> -> vector<4096x32xf32>
    %add3A_40 = arith.addf %dot_general3A_37, %dot_general3A_39 : vector<4096x32xf32>
    %dot_general3A_41 = arith.constant dense<0.000000e+00> : vector<4096x32xf32>
    %dot_general3A_42 = tpu.matmul %convert_element_type3A_6, %add3A_28, %dot_general3A_41 {dimension_numbers = #tpu.dot_dimension_numbers<[1], [0], [0], [1], [0, 0, 1, 1], [], []>, transpose_lhs_hint = false} : vector<4096x16xf32>, vector<16x32xf32>, vector<4096x32xf32> -> vector<4096x32xf32>
    %add3A_43 = arith.addf %add3A_40, %dot_general3A_42 : vector<4096x32xf32>
    %broadcast_in_dim3A = arith.constant 3.125000e-02 : f32
    %broadcast_in_dim3A_44 = vector.broadcast %broadcast_in_dim3A : f32 to vector<32x32xf32>
    %dot_general3A_45 = arith.constant dense<0.000000e+00> : vector<4096x32xf32>
    %dot_general3A_46 = tpu.matmul %add3A_43, %broadcast_in_dim3A_44, %dot_general3A_45 {dimension_numbers = #tpu.dot_dimension_numbers<[1], [0], [0], [1], [0, 0, 1, 1], [], []>, transpose_lhs_hint = false} : vector<4096x32xf32>, vector<32x32xf32>, vector<4096x32xf32> -> vector<4096x32xf32>
    %mul3A_47 = arith.mulf %add3A_43, %add3A_43 : vector<4096x32xf32>
    %dot_general3A_48 = arith.constant dense<0.000000e+00> : vector<4096x32xf32>
    %dot_general3A_49 = tpu.matmul %mul3A_47, %broadcast_in_dim3A_44, %dot_general3A_48 {dimension_numbers = #tpu.dot_dimension_numbers<[1], [0], [0], [1], [0, 0, 1, 1], [], []>, transpose_lhs_hint = false} : vector<4096x32xf32>, vector<32x32xf32>, vector<4096x32xf32> -> vector<4096x32xf32>
    %mul3A_50 = arith.mulf %dot_general3A_46, %dot_general3A_46 : vector<4096x32xf32>
    %sub3A = arith.subf %dot_general3A_49, %mul3A_50 : vector<4096x32xf32>
    %max3A = arith.constant 0.000000e+00 : f32
    %max3A_51 = vector.broadcast %max3A : f32 to vector<4096x32xf32>
    %max3A_52 = arith.maximumf %sub3A, %max3A_51 : vector<4096x32xf32>
    %add3A_53 = arith.constant 1.000000e-10 : f32
    %add3A_54 = vector.broadcast %add3A_53 : f32 to vector<4096x32xf32>
    %add3A_55 = arith.addf %max3A_52, %add3A_54 : vector<4096x32xf32>
    %rsqrt3A = math.rsqrt %add3A_55 : vector<4096x32xf32>
    %mul3A_56 = arith.constant 5.000000e-01 : f32
    %mul3A_57 = vector.broadcast %mul3A_56 : f32 to vector<4096x32xf32>
    %mul3A_58 = arith.mulf %mul3A_57, %rsqrt3A : vector<4096x32xf32>
    %sub3A_59 = arith.subf %add3A_43, %dot_general3A_46 : vector<4096x32xf32>
    %mul3A_60 = arith.mulf %sub3A_59, %mul3A_58 : vector<4096x32xf32>
    %tanh3A = math.tanh %mul3A_60 : vector<4096x32xf32>
    %get3A_61 = arith.constant 0 : index
    %get3A_62 = arith.constant 0 : index
    %get3A_63 = vector.load %arg6[%get3A_61, %get3A_62] : memref<1x32xf32, #tpu.memory_space<vmem>>, vector<1x32xf32>
    %add3A_64 = arith.constant 1.000000e+00 : f32
    %add3A_65 = vector.broadcast %add3A_64 : f32 to vector<1x32xf32>
    %add3A_66 = arith.addf %add3A_65, %get3A_63 : vector<1x32xf32>
    %mul3A_67 = arith.constant 5.000000e-01 : f32
    %mul3A_68 = vector.broadcast %mul3A_67 : f32 to vector<1x32xf32>
    %mul3A_69 = arith.mulf %mul3A_68, %add3A_66 : vector<1x32xf32>
    %sub3A_70 = arith.constant 1.000000e+00 : f32
    %sub3A_71 = vector.broadcast %sub3A_70 : f32 to vector<1x32xf32>
    %sub3A_72 = arith.subf %sub3A_71, %get3A_63 : vector<1x32xf32>
    %mul3A_73 = arith.constant 5.000000e-01 : f32
    %mul3A_74 = vector.broadcast %mul3A_73 : f32 to vector<1x32xf32>
    %mul3A_75 = arith.mulf %mul3A_74, %sub3A_72 : vector<1x32xf32>
    %mul3A_76 = vector.broadcast %mul3A_75 : vector<1x32xf32> to vector<4096x32xf32>
    %mul3A_77 = arith.mulf %mul3A_76, %tanh3A : vector<4096x32xf32>
    %add3A_78 = vector.broadcast %mul3A_69 : vector<1x32xf32> to vector<4096x32xf32>
    %add3A_79 = arith.addf %add3A_78, %mul3A_77 : vector<4096x32xf32>
    %mul3A_80 = arith.mulf %add3A_43, %add3A_79 : vector<4096x32xf32>
    %get3A_81 = arith.constant 0 : index
    %get3A_82 = arith.constant 0 : index
    %get3A_83 = vector.load %arg7[%get3A_81, %get3A_82] : memref<32x16xf32, #tpu.memory_space<vmem>>, vector<32x16xf32>
    %dot_general3A_84 = arith.constant dense<0.000000e+00> : vector<4096x16xf32>
    %dot_general3A_85 = tpu.matmul %mul3A_80, %get3A_83, %dot_general3A_84 {dimension_numbers = #tpu.dot_dimension_numbers<[1], [0], [0], [1], [0, 0, 1, 1], [], []>, transpose_lhs_hint = false} : vector<4096x32xf32>, vector<32x16xf32>, vector<4096x16xf32> -> vector<4096x16xf32>
    %get3A_86 = arith.constant 0 : index
    %get3A_87 = arith.constant 0 : index
    %get3A_88 = vector.load %arg8[%get3A_86, %get3A_87] : memref<1x1xf32, #tpu.memory_space<vmem>>, vector<1x1xf32>
    %add3A_89 = vector.broadcast %get3A_88 : vector<1x1xf32> to vector<4096x16xf32>
    %add3A_90 = arith.addf %dot_general3A_85, %add3A_89 : vector<4096x16xf32>
    %mul3A_91 = arith.mulf %get3A_1, %add3A_90 : vector<4096x16xf32>
    %dot_general3A_92 = arith.constant dense<0.000000e+00> : vector<16x16xf32>
    %dot_general3A_93 = tpu.matmul %convert_element_type3A_6, %mul3A_91, %dot_general3A_92 {dimension_numbers = #tpu.dot_dimension_numbers<[0], [0], [1], [1], [0, 1, 1, 1], [], []>, transpose_lhs_hint = false} : vector<4096x16xf32>, vector<4096x16xf32>, vector<16x16xf32> -> vector<16x16xf32>
    %eq3A_94 = arith.constant 0 : i32
    %eq3A_95 = arith.cmpi eq, %arg0, %eq3A_94 : i32
    %convert_element_type3A_96 = arith.extui %eq3A_95 : i1 to i32
    %cond3A = arith.constant 0 : i32
    %cond3A_97 = arith.cmpi ne, %convert_element_type3A_96, %cond3A : i32
    scf.if %cond3A_97 {
      %broadcast_in_dim3A_104 = arith.constant 0.000000e+00 : f32
      %broadcast_in_dim3A_105 = vector.broadcast %broadcast_in_dim3A_104 : f32 to vector<16x16xf32>
      %swap3A_106 = arith.constant 0 : index
      %swap3A_107 = arith.constant 0 : index
      %swap3A_108 = vector.load %arg11[%swap3A_106, %swap3A_107] : memref<16x16xf32, #tpu.memory_space<vmem>>, vector<16x16xf32>
      tpu.vector_store %arg11[%swap3A_106, %swap3A_107], %broadcast_in_dim3A_105 {strides = array<i32>} : memref<16x16xf32, #tpu.memory_space<vmem>>, vector<16x16xf32>,
    } else {
    }
    %get3A_98 = arith.constant 0 : index
    %get3A_99 = arith.constant 0 : index
    %get3A_100 = vector.load %arg11[%get3A_98, %get3A_99] : memref<16x16xf32, #tpu.memory_space<vmem>>, vector<16x16xf32>
    %add3A_101 = arith.addf %get3A_100, %dot_general3A_93 : vector<16x16xf32>
    %swap3A = arith.constant 0 : index
    %swap3A_102 = arith.constant 0 : index
    %swap3A_103 = vector.load %arg11[%swap3A, %swap3A_102] : memref<16x16xf32, #tpu.memory_space<vmem>>, vector<16x16xf32>
    tpu.vector_store %arg11[%swap3A, %swap3A_102], %add3A_101 {strides = array<i32>} : memref<16x16xf32, #tpu.memory_space<vmem>>, vector<16x16xf32>,
    return
  }
  func.func @transform_0(%arg0: i32) -> (i32, i32) {
    %c0_i32 = arith.constant 0 : i32
    %c0_i32_0 = arith.constant 0 : i32
    %c0_i32_1 = arith.constant 0 : i32
    return %c0_i32, %c0_i32_0 : i32, i32
  }
  func.func @transform_1(%arg0: i32) -> (i32, i32) {
    %c0_i32 = arith.constant 0 : i32
    %c0_i32_0 = arith.constant 0 : i32
    return %arg0, %c0_i32 : i32, i32
  }
  func.func @transform_2(%arg0: i32) -> (i32, i32) {
    %c0_i32 = arith.constant 0 : i32
    %c0_i32_0 = arith.constant 0 : i32
    return %arg0, %c0_i32 : i32, i32
  }
  func.func @transform_3(%arg0: i32) -> (i32, i32) {
    %c0_i32 = arith.constant 0 : i32
    %c0_i32_0 = arith.constant 0 : i32
    %c0_i32_1 = arith.constant 0 : i32
    return %c0_i32, %c0_i32_0 : i32, i32
  }
  func.func @transform_4(%arg0: i32) -> (i32, i32) {
    %c0_i32 = arith.constant 0 : i32
    %c0_i32_0 = arith.constant 0 : i32
    %c0_i32_1 = arith.constant 0 : i32
    return %c0_i32, %c0_i32_0 : i32, i32
  }
  func.func @transform_5(%arg0: i32) -> (i32, i32) {
    %c0_i32 = arith.constant 0 : i32
    %c0_i32_0 = arith.constant 0 : i32
    %c0_i32_1 = arith.constant 0 : i32
    return %c0_i32, %c0_i32_0 : i32, i32
  }
  func.func @transform_6(%arg0: i32) -> (i32, i32) {
    %c0_i32 = arith.constant 0 : i32
    %c0_i32_0 = arith.constant 0 : i32
    %c0_i32_1 = arith.constant 0 : i32
    return %c0_i32, %c0_i32_0 : i32, i32
  }
  func.func @transform_7(%arg0: i32) -> (i32, i32) {
    %c0_i32 = arith.constant 0 : i32
    %c0_i32_0 = arith.constant 0 : i32
    %c0_i32_1 = arith.constant 0 : i32
    return %c0_i32, %c0_i32_0 : i32, i32
  }
  func.func @transform_8(%arg0: i32) -> (i32, i32) {
    %c0_i32 = arith.constant 0 : i32
    %c0_i32_0 = arith.constant 0 : i32
    %c0_i32_1 = arith.constant 0 : i32
    return %c0_i32, %c0_i32_0 : i32, i32
  }
  func.func @transform_9(%arg0: i32) -> (i32, i32) {
    %c0_i32 = arith.constant 0 : i32
    %c0_i32_0 = arith.constant 0 : i32
    %c0_i32_1 = arith.constant 0 : i32
    return %c0_i32, %c0_i32_0 : i32, i32
  }
  func.func @transform_10(%arg0: i32) -> (i32, i32) {
    %c0_i32 = arith.constant 0 : i32
    %c0_i32_0 = arith.constant 0 : i32
    %c0_i32_1 = arith.constant 0 : i32
    return %c0_i32, %c0_i32_0 : i32, i32
  }
}

</mosaic_0001>

<sc_bundles>
// kernel: kernel.5.cloned.1.call-start
scs
__scs_entry_jumppad:
0x0: {  	(pc) =	sbr.rel $0x88, $3  }
0x1: {  	(tag) =	ssettag $0x0;
	lr =	simm.s32 $0x1  }
0x2: {  	[smem:$0x3F99] =	sst lr;
	_ =	strace $0xD0000000  }
0x3: {  	_ = 	snop  }
0x4: {  	_ = 	snop  }
0x5: {  	_ = 	snop  }
0x6: {  	_ = 	snop  }
0x7: {  	_ = 	snop  }
__scs_overlays_trampoline_lowered:
0x8: {  	[smem:$0x3FA8] =	sst s0  }
0x9: {  	[smem:$0x3FA9] =	sst s1  }
0xa: {  	[smem:$0x3FAA] =	sst s2  }
0xb: {  	[smem:$0x3FAB] =	sst s3  }
0xc: {  	[smem:$0x3FAC] =	sst s4  }
0xd: {  	[smem:$0x3FAD] =	sst s5  }
0xe: {  	[smem:$0x3FAE] =	sst s6  }
0xf: {  	[smem:$0x3FAF] =	sst s7  }
0x10: {  	[smem:$0x3FB0] =	sst s8  }
0x11: {  	[smem:$0x3FB1] =	sst s9;
	s0 =	simm.s32 @!p0 $0x0  }
0x12: {  	s1 =	sld [smem:$0x3F97];
	s0 =	simm.s32 @p0 $0x1  }
0x13: {  	[smem:$0x3FB2] =	sst s0;
	s0 =	simm.s32 @!p1 $0x0  }
0x14: {  	s2 =	sld [smem:$0x3F96];
	s0 =	simm.s32 @p1 $0x1  }
0x15: {  	[smem:$0x3FB3] =	sst s0;
	s0 =	simm.s32 @!p2 $0x0  }
0x16: {  	s3 =	sld [smem:$0x3FDB];
	s0 =	simm.s32 @p2 $0x1  }
0x17: {  	s4 =	simm.s32 $0x1BF5;
	[smem:$0x3FB5] =	sst s0  }
0x18: {  	s0 =	sld [smem:$0x3F98];
	_ =	swait.ge [sflag:s4], $0x0  }
0x19: {  	s7 =	sld [smem:$0x3F99]  }
0x1a: {  	s8 =	sadd.s32 $0xFFFFE003, lr  }
0x1b: {  	s9 =	sadd.s32 $0xFFFFFEF7, lr;
	s5 =	simm.s32 $0xFFFFFFFF;
	p2 =	slt.u32 s8, $0xFFFFF086  }
0x1c: {  	p1 =	slt.u32 s9, $0xF7A;
	s5 =	simm.s32 @!p2 $0x0  }
0x1d: {  	s5 =	simm.s32 @p1 $0x1;
	p0 =	seq.s32 s7, s2  }
0x1e: {  	s7 =	smul.u32 @!p0 $0xF7A, s2;
	p2 =	seq.s32 @!p0 s5, $0x0  }
0x1f: {  	s9 =	smul.u32 $0xF7A, s1;
	s8 =	simm.s32 @!p0 $0x1BF5;
	p2 =	por !p2, p0  }
0x20: {  	[sflag:s8] =	ssyncset.s32 @!p0 $0xFFFFF086;
	s6 =	sadd.s32 @!p0 s3, s7;
	s7 =	simm.s32 @!p0 $0x108  }
0x21: {  	s3 =	sadd.s32 s3, s9;
	s6 =	sadd.s32 @!p0 $0x88, s6;
	s7 =	simm.s32 @p2 $0x1082  }
0x22: {  	[simem:s7], [sflag:s8] =	dma.local @!p0 [hbm:s6], $0xF7A  }
0x23: {  	s9 =	sor.u32 $0xD0000000, s2;
	s6 =	simm.s32 $0x108;
	_ =	swait.ge @!p0 [sflag:s8], $0x0  }
0x24: {  	s3 =	sadd.s32 $0x88, s3;
	s6 =	simm.s32 @!p1 $0x1082;
	[sflag:s4] =	ssyncset.s32 $0xFFFFF086  }
0x25: {  	[simem:s6], [sflag:s4] =	dma.local [hbm:s3], $0xF7A  }
0x26: {  	[smem:$0x3F99] =	sst s1;
	(tag) =	ssettag s2;
	_ =	strace s9  }
0x27: {  	s1 =	sld [smem:$0x3FA9]  }
0x28: {  	s2 =	sld [smem:$0x3FAA]  }
0x29: {  	s4 =	sld [smem:$0x3FAC]  }
0x2a: {  	p0 =	seq.s32 s5, $0x0;
	s5 =	sld [smem:$0x3FAD]  }
0x2b: {  	s6 =	sld [smem:$0x3FAE]  }
0x2c: {  	s7 =	sld [smem:$0x3FAF]  }
0x2d: {  	s3 =	simm.s32 $0x108;
	s8 =	sld [smem:$0x3FB0]  }
0x2e: {  	s3 =	simm.s32 @!p0 $0x1082;
	s9 =	sld [smem:$0x3FB1]  }
0x2f: {  	lr =	sadd.s32 s0, s3;
	s0 =	sld [smem:$0x3FA8]  }
0x30: {  	s3 =	sld [smem:$0x3FAB]  }
0x31: {  	[smem:$0x3FB4] =	sst s10  }
0x32: {  	s10 =	sld [smem:$0x3FB2];
	_ =	sdelay $0x3  }
0x33: {  	p0 =	seq.s32 s10, $0x1;
	s10 =	sld [smem:$0x3FB4];
	_ =	sdelay $0x3  }
0x34: {  	[smem:$0x3FB4] =	sst s10  }
0x35: {  	s10 =	sld [smem:$0x3FB3];
	_ =	sdelay $0x3  }
0x36: {  	p1 =	seq.s32 s10, $0x1;
	s10 =	sld [smem:$0x3FB4];
	_ =	sdelay $0x3  }
0x37: {  	[smem:$0x3FB4] =	sst s10  }
0x38: {  	s10 =	sld [smem:$0x3FB5]  }
0x39: {  	_ = 	snop;
	(pc) =	sbr.ind lr, $3  }
0x3a: {  	_ = 	snop  }
0x3b: {  	_ = 	snop  }
0x3c: {  	p2 =	seq.s32 s10, $0x1;
	s10 =	sld [smem:$0x3FB4]  }
0x3d: {  	_ =	shalt  }
0x3e: {  	_ =	shalt  }
0x3f: {  	_ =	shalt  }
0x40: {  	_ =	shalt  }
0x41: {  	_ =	shalt  }
0x42: {  	_ =	shalt  }
0x43: {  	_ =	shalt  }
0x44: {  	_ =	shalt  }
0x45: {  	_ =	shalt  }
0x46: {  	_ =	shalt  }
0x47: {  	_ =	shalt  }
0x48: {  	_ =	shalt  }
0x49: {  	_ =	shalt  }
0x4a: {  	_ =	shalt  }
0x4b: {  	_ =	shalt  }
0x4c: {  	_ =	shalt  }
0x4d: {  	_ =	shalt  }
0x4e: {  	_ =	shalt  }
0x4f: {  	_ =	shalt  }
0x50: {  	_ =	shalt  }
0x51: {  	_ =	shalt  }
0x52: {  	_ =	shalt  }
0x53: {  	_ =	shalt  }
0x54: {  	_ =	shalt  }
0x55: {  	_ =	shalt  }
0x56: {  	_ =	shalt  }
0x57: {  	_ =	shalt  }
0x58: {  	_ =	shalt  }
0x59: {  	_ =	shalt  }
0x5a: {  	_ =	shalt  }
0x5b: {  	_ =	shalt  }
0x5c: {  	_ =	shalt  }
0x5d: {  	_ =	shalt  }
0x5e: {  	_ =	shalt  }
0x5f: {  	_ =	shalt  }
0x60: {  	_ =	shalt  }
0x61: {  	_ =	shalt  }
0x62: {  	_ =	shalt  }
0x63: {  	_ =	shalt  }
0x64: {  	_ =	shalt  }
0x65: {  	_ =	shalt  }
0x66: {  	_ =	shalt  }
0x67: {  	_ =	shalt  }
0x68: {  	_ =	shalt  }
0x69: {  	_ =	shalt  }
0x6a: {  	_ =	shalt  }
0x6b: {  	_ =	shalt  }
0x6c: {  	_ =	shalt  }
0x6d: {  	_ =	shalt  }
0x6e: {  	_ =	shalt  }
0x6f: {  	_ =	shalt  }
0x70: {  	_ =	shalt  }
0x71: {  	_ =	shalt  }
0x72: {  	_ =	shalt  }
0x73: {  	_ =	shalt  }
0x74: {  	_ =	shalt  }
0x75: {  	_ =	shalt  }
0x76: {  	_ =	shalt  }
0x77: {  	_ =	shalt  }
0x78: {  	_ =	shalt  }
0x79: {  	_ =	shalt  }
0x7a: {  	_ =	shalt  }
0x7b: {  	_ =	shalt  }
0x7c: {  	_ =	shalt  }
0x7d: {  	_ =	shalt  }
0x7e: {  	_ =	shalt  }
0x7f: {  	_ =	shalt  }
0x80: {  	_ =	shalt  }
0x81: {  	_ =	shalt  }
0x82: {  	_ =	shalt  }
0x83: {  	_ =	shalt  }
0x84: {  	_ =	shalt  }
0x85: {  	_ =	shalt  }
0x86: {  	_ =	shalt  }
0x87: {  	_ =	shalt  }
.Lfunc_end0:
.L_simem_size_0:
called_computation_lowered:
.L_overlay_start_0:
0x88: {  	s2 =	sld [smem:$0x3FD9]  }
0x89: {  	s3 =	sld [smem:$0x3FFE];
	_ =	sdelay $0x1  }
0x8a: {  	s1 =	srdreg.scid  }
0x8b: {  	s0 =	sand.u32 $0x1, s1  }
0x8c: {  	s17 =	sshll.u32 s0, $0xA;
	s2 =	sadd.s32 s3, s2  }
0x8d: {  	s2 =	sadd.s32 s2, s17  }
0x8e: {  	[smem:$0x3FC0] =	sst s2  }
0x8f: {  	_ = 	snop  }
0x90: {  	s2 =	sld [smem:$0x3FD0];
	(tm) =	ssettm $0x1  }
0x91: {  	s18 =	sld [smem:$0x3FFB];
	_ =	sdelay $0x3  }
0x92: {  	_ =	strace s18  }
0x93: {  	s3 =	sld [smem:$0x3FFC];
	_ =	sdelay $0x3  }
0x94: {  	_ =	strace s3  }
0x95: {  	s3 =	sld [smem:$0x3FFD];
	_ =	sdelay $0x3  }
0x96: {  	_ =	strace s3  }
0x97: {  	_ =	strace $0x8FFFFFFF  }
0x98: {  	s19 =	sld [smem:$0x3FDB];
	_ =	sdelay $0x1  }
0x99: {  	s4 =	simm.s32 $_scs_section_size  }
0x9a: {  	s5 =	simm.s32 $_size__tile_overlayer_lowered;
	s6 =	simm.s32 $_tile_overlayer_lowered  }
0x9b: {  	s22 =	simm.s32 $0x1BFF;
	s21 =	sshll.u32 s6, $0x1;
	s3 =	sadd.s32 s4, s19  }
0x9c: {  	s7 =	simm.s32 $0x0;
	s20 =	sshll.u32 s5, $0x1;
	s5 =	sadd.s32 s21, s3  }
0x9d: {  	[timem:s7], [sflag:s22] =	dma.local [hbm:s5], s20  }
0x9e: {  	_ =	swait.ge [sflag:s22], s20  }
0x9f: {  	s4 =	ssub.s32 $0x0, s20;
	[sflag:s22] =	ssyncset.done $0x0  }
0xa0: {  	[sflag:s22] =	ssyncadd.s32 s4;
	_ =	sdelay $0x1  }
0xa1: {  	s23 =	simm.s32 $0x1B8B  }
0xa2: {  	_ =	swait.ge [sflag:s23], $0x1  }
0xa3: {  	[sflag:s23] =	ssyncset.done $0x0  }
0xa4: {  	s25 =	simm.s32 $0x1B8E;
	s24 =	sld [smem:$0x3FFE];
	[sflag:s23] =	ssyncadd.s32 $0xFFFFFFFF  }
0xa5: {  	s26 =	simm.s32 $execute0_lowered;
	[smem:$0x3FD2] =	sst s25  }
0xa6: {  	s5 =	sshll.u32 s26, $0x1;
	_ =	strace $0x80000046;
	[dreg:$0x1] =	wrdreg $0xFFFFFFFF  }
0xa7: {  	s28 =	simm.s32 $_size_execute0_lowered;
	s3 =	sadd.s32 s3, s5;
	[dreg:$0x0] =	wrdreg $0x0  }
0xa8: {  	s5 =	sshll.u32 s28, $0x1;
	[dreg:$0x2] =	wrdreg s3  }
0xa9: {  	[dreg:$0x3] =	wrdreg s5  }
0xaa: {  	[dreg:$0x4] =	wrdreg $0xC0  }
0xab: {  	_ =	task [dreg:s7], $0x5FFFF  }
0xac: {  	[dreg:$0x1] =	wrdreg $0xFFFFFFFF  }
0xad: {  	[dreg:$0x0] =	wrdreg $0x60  }
0xae: {  	[dreg:$0x2] =	wrdreg s24  }
0xaf: {  	[dreg:$0x3] =	wrdreg s2  }
0xb0: {  	[dreg:$0x4] =	wrdreg $0x9  }
0xb1: {  	_ =	task.clear_ibuf [dreg:s7], $0x5FFFF;
	_ =	strace $0x90000046  }
0xb2: {  	s29 =	simm.s32 $0x9;
	_ =	strace $0x80000048  }
0xb3: {  	_ =	swait.ge [sflag:s29], $0x1  }
0xb4: {  	[sflag:s29] =	ssyncadd.s32 $0xFFFFFFFF  }
0xb5: {  	_ =	strace $0x90000048  }
0xb6: {  	_ =	sfence  }
0xb7: {  	s30 =	sld [smem:$0x0];
	_ =	sdelay $0x2  }
0xb8: {  	s31 =	sshll.u32 s1, $0xD;
	s1 =	sshrl.u32 s1, $0x2  }
0xb9: {  	s3 =	sand.u32 $0x4000, s31;
	s1 =	sadd.s32 s1, s30  }
0xba: {  	s0 =	sor.u32 s3, s0;
	s1 =	sshll.u32 s1, $0x11  }
0xbb: {  	s0 =	sor.u32 s1, s0  }
0xbc: {  	s0 =	sadd.s32 $0x8F2B, s0  }
0xbd: {  	[sflag:s0] =	ssyncadd.remote.s32 $0x1  }
0xbe: {  	_ =	sfence.sel $0xFFFF  }
0xbf: {  	[dreg:$0x0] =	wrdreg $0xFFFFFFFF;
	(pc) =	sbr.abs _section_cstart, $3  }
0xc0: {  	[dreg:$0x1] =	wrdreg $0xFFFFFFFF  }
0xc1: {  	_ =	task.clear_ibuf [dreg:s7], $0x2FFFF;
	_ =	strace $0x9FFFFFFF  }
0xc2: {  	(tm) =	ssettm $0x7FFFFFFF  }
0xc3: {  	_ =	shalt  }
tec
execute0_lowered:
.L_overlay_start_1:
0x0: {  	(tag) =	ssettag $0x1  }
0x1: {  	s9 =	rddreg [dreg:$0x0];
	s1 =	srdreg.scid  }
0x2: {  	s0 =	stileid.u32;
	s2 =	rddreg [dreg:$0x1];
	s3 =	simm.s32 $0x0  }
0x3: {  	s16 =	simm.s32 $0x3100;
	s17 =	simm.s32 $0x3300;
	s18 =	simm.s32 $0x3500  }
0x4: {  	s19 =	simm.s32 $0x3700;
	s20 =	simm.s32 $0x3900;
	s21 =	simm.s32 $0x3B80  }
0x5: {  	s22 =	simm.s32 $0x80;
	s23 =	simm.s32 $0x400;
	s24 =	simm.s32 $0x0  }
0x6: {  	s10 =	sand.u32 $0x1, s1;
	s4 =	sshll.u32 s0, $0x1;
	[smem:$0x7FF] =	sst s3  }
0x7: {  	s6 =	sadd.s32 $0x6200, s9;
	s7 =	sadd.s32 $0x6400, s9;
	s8 =	sadd.s32 $0x6800, s9  }
0x8: {  	s14 =	sshll.u32 s0, $0x6;
	s11 =	sor.u32 s10, s4;
	_ =	strace $0x80000047  }
0x9: {  	s14 =	sand.u32 $0x300, s14;
	s10 =	ssub.s32 $0x2, s10;
	s4 =	sshll.u32 s11, $0x9  }
0xa: {  	s5 =	sshll.u32 s11, $0x5;
	s11 =	sshll.u32 s11, $0x4;
	s14 =	sadd.s32 s14, s9  }
0xb: {  	s31 =	sshrl.u32 s10, $0x1;
	s12 =	sadd.s32 s4, s9;
	s13 =	sadd.s32 s5, s9  }
0xc: {  	s4 =	sadd.s32 $0x5C00, s9;
	s5 =	sadd.s32 $0x6000, s9;
	s11 =	sand.u32 $0x70, s11  }
0xd: {  	s15 =	ssub.s32 s10, s31;
	s9 =	sadd.s32 $0x1800, s12;
	s11 =	sadd.s32 s11, s14  }
0xe: {  	v1 =	vlaneseq.u32;
	s10 =	sadd.s32 $0x5800, s13;
	s12 =	smax.u32 s15, $0x1;
	s13 =	simm.s32 $0x1  }
0xf: {  	v0 =	vimm.f32 $0.0e+00;
	v1 =	vmul.u32 $0x10, v1;
	s14 =	simm.s32 $0x1000;
	s15 =	simm.s32 $0x1100;
	s11 =	sadd.s32 $0x6A00, s11  }
.LBB2_1:
0x10: {  	[tilespmem:s3], [sflag:$0x1] =	stream.linear.gather [hbm4b:s9+s3], $0x1000, $0x38;
	[tilespmem:$0x3C80] =	vst v63  }
0x11: {  	_ =	swait.ge [sflag:s13], $0x1000  }
0x12: {  	[sflag:s13] =	ssyncset.done $0x0  }
0x13: {  	[sflag:s13] =	ssyncadd.s32 $0xFFFFF000  }
0x14: {  	[tilespmem:s14], [sflag:$0x1] =	stream.linear.gather [hbm4b:s10+s3], $0x100, $0x38;
	[tilespmem:$0x3C80] =	vst v63  }
0x15: {  	_ =	swait.ge [sflag:s13], $0x100  }
0x16: {  	[sflag:s13] =	ssyncset.done $0x0  }
0x17: {  	[sflag:s13] =	ssyncadd.s32 $0xFFFFFF00  }
0x18: {  	[tilespmem:s15], [sflag:$0x1] =	stream.linear.gather [hbm4b:s4+s3], $0x2000, $0x38;
	[tilespmem:$0x3C80] =	vst v63  }
0x19: {  	_ =	swait.ge [sflag:s13], $0x2000  }
0x1a: {  	[sflag:s13] =	ssyncset.done $0x0  }
0x1b: {  	[sflag:s13] =	ssyncadd.s32 $0xFFFFE000  }
0x1c: {  	[tilespmem:s16], [sflag:$0x1] =	stream.linear.gather [hbm4b:s2+s3], $0x200, $0x38;
	[tilespmem:$0x3C80] =	vst v63  }
0x1d: {  	_ =	swait.ge [sflag:s13], $0x200  }
0x1e: {  	[sflag:s13] =	ssyncset.done $0x0  }
0x1f: {  	[sflag:s13] =	ssyncadd.s32 $0xFFFFFE00  }
0x20: {  	[tilespmem:s17], [sflag:$0x1] =	stream.linear.gather [hbm4b:s5+s3], $0x200, $0x38;
	[tilespmem:$0x3C80] =	vst v63  }
0x21: {  	_ =	swait.ge [sflag:s13], $0x200  }
0x22: {  	[sflag:s13] =	ssyncset.done $0x0  }
0x23: {  	[sflag:s13] =	ssyncadd.s32 $0xFFFFFE00  }
0x24: {  	[tilespmem:s18], [sflag:$0x1] =	stream.linear.gather [hbm4b:s6+s3], $0x200, $0x38;
	[tilespmem:$0x3C80] =	vst v63  }
0x25: {  	_ =	swait.ge [sflag:s13], $0x200  }
0x26: {  	[sflag:s13] =	ssyncset.done $0x0  }
0x27: {  	[sflag:s13] =	ssyncadd.s32 $0xFFFFFE00  }
0x28: {  	[tilespmem:s19], [sflag:$0x1] =	stream.linear.gather [hbm4b:s7+s3], $0x200, $0x38;
	[tilespmem:$0x3C80] =	vst v63  }
0x29: {  	_ =	swait.ge [sflag:s13], $0x200  }
0x2a: {  	[sflag:s13] =	ssyncset.done $0x0  }
0x2b: {  	[sflag:s13] =	ssyncadd.s32 $0xFFFFFE00  }
0x2c: {  	[tilespmem:s20], [sflag:$0x1] =	stream.linear.gather [hbm4b:s8+s3], $0x80, $0x38;
	[tilespmem:$0x3C80] =	vst v63  }
0x2d: {  	_ =	swait.ge [sflag:s13], $0x80  }
0x2e: {  	[sflag:s13] =	ssyncset.done $0x0  }
0x2f: {  	[sflag:s13] =	ssyncadd.s32 $0xFFFFFF80  }
0x30: {  	[tilespmem:$0x3B80] =	vst v0  }
0x31: {  	[tilespmem:$0x3B90] =	vst v0  }
0x32: {  	[tilespmem:$0x3BA0] =	vst v0  }
0x33: {  	[tilespmem:$0x3BB0] =	vst v0  }
0x34: {  	[tilespmem:$0x3BC0] =	vst v0  }
0x35: {  	[tilespmem:$0x3BD0] =	vst v0  }
0x36: {  	[tilespmem:$0x3BE0] =	vst v0  }
0x37: {  	[tilespmem:$0x3BF0] =	vst v0  }
0x38: {  	[tilespmem:$0x3C00] =	vst v0  }
0x39: {  	[tilespmem:$0x3C10] =	vst v0  }
0x3a: {  	[tilespmem:$0x3C20] =	vst v0  }
0x3b: {  	[tilespmem:$0x3C30] =	vst v0  }
0x3c: {  	[tilespmem:$0x3C40] =	vst v0  }
0x3d: {  	[tilespmem:$0x3C50] =	vst v0  }
0x3e: {  	[tilespmem:$0x3C60] =	vst v0  }
0x3f: {  	s25 =	simm.s32 $0x0;
	[tilespmem:$0x3C70] =	vst v0  }
.LBB2_2:
0x40: {  	s0 =	sshll.u32 s25, $0x8  }
0x41: {  	s26 =	sshll.u32 s25, $0x4;
	v3 =	vor.u32 s0, v1;
	s28 =	sor.u32 $0x1, s0  }
0x42: {  	s26 =	sand.u32 $0x3FFFFFF0, s26;
	s29 =	sor.u32 $0x5, s0;
	v4 =	vor.u32 s28, v1  }
0x43: {  	s30 =	sor.u32 $0x6, s0;
	s1 =	sor.u32 $0x9, s0;
	s31 =	sor.u32 $0xC, s0;
	v8 =	vor.u32 s29, v1  }
0x44: {  	v2 =	vld [tilespmem:s26+$0x1000];
	s28 =	sor.u32 $0x2, s0;
	v9 =	vor.u32 s30, v1;
	s29 =	sor.u32 $0x8, s0;
	v12 =	vor.u32 s1, v1;
	v15 =	vor.u32 s31, v1;
	s26 =	sor.u32 $0xF, s0  }
0x45: {  	s1 =	simm.s32 $0x20;
	s30 =	simm.s32 $0x40;
	s31 =	simm.s32 $0x140;
	v5 =	vor.u32 s28, v1;
	v11 =	vor.u32 s29, v1;
	v18 =	vor.u32 s26, v1  }
0x46: {  	s28 =	sor.u32 $0x3, s0;
	s29 =	sor.u32 $0xB, s0;
	v24 =	vmov s1;
	v25 =	vmov s30;
	v27 =	vmov s31;
	v3 =	vld.idx.msk [tilespmem:v3+s3+$0x0], $0xffff  }
0x47: {  	s1 =	simm.s32 $0x60;
	v6 =	vor.u32 s28, v1;
	v14 =	vor.u32 s29, v1;
	v24 =	vand.u32 $0x7E, v24;
	v4 =	vld.idx.msk [tilespmem:v4+s3+$0x0], $0xffff  }
0x48: {  	s30 =	simm.s32 $0xA0;
	s31 =	simm.s32 $0xC0;
	s28 =	sor.u32 $0x4, s0;
	v25 =	vand.u32 $0x7E, v25;
	v27 =	vand.u32 $0x7E, v27;
	v29 =	vmov s1;
	v8 =	vld.idx.msk [tilespmem:v8+s3+$0x0], $0xffff  }
0x49: {  	s29 =	sor.u32 $0xE, s0;
	v30 =	vmov s30;
	v32 =	vmov s31;
	v7 =	vor.u32 s28, v1;
	v9 =	vld.idx.msk [tilespmem:v9+s3+$0x0], $0xffff  }
0x4a: {  	v17 =	vor.u32 s29, v1;
	v27 =	vor.u32 $0x100, v27;
	v24 =	vbroadcast v24, $0x0;
	v12 =	vld.idx.msk [tilespmem:v12+s3+$0x0], $0xffff  }
0x4b: {  	s28 =	sor.u32 $0x7, s0;
	s29 =	simm.s32 $0x1C0;
	v25 =	vbroadcast v25, $0x0;
	v29 =	vand.u32 $0x7E, v29;
	v30 =	vand.u32 $0x7E, v30;
	v15 =	vld.idx.msk [tilespmem:v15+s3+$0x0], $0xffff  }
0x4c: {  	v32 =	vand.u32 $0x7E, v32;
	v10 =	vor.u32 s28, v1;
	v23 =	vmov s29;
	v5 =	vld.idx.msk [tilespmem:v5+s3+$0x0], $0xffff  }
0x4d: {  	v27 =	vbroadcast v27, $0x0;
	v29 =	vbroadcast v29, $0x0;
	v30 =	vor.u32 $0x80, v30;
	v11 =	vld.idx.msk [tilespmem:v11+s3+$0x0], $0xffff  }
0x4e: {  	s28 =	sor.u32 $0xA, s0;
	v32 =	vor.u32 $0x80, v32;
	v19 =	vshll.u32 v2, $0x5;
	v20 =	vshll.u32 v2, $0x9;
	v18 =	vld.idx.msk [tilespmem:v18+s3+$0x0], $0xffff  }
0x4f: {  	v13 =	vor.u32 s28, v1;
	s28 =	sor.u32 $0xD, s0;
	s0 =	simm.s32 $0xE0;
	v23 =	vand.u32 $0x7E, v23;
	v30 =	vbroadcast v30, $0x0;
	v6 =	vld.idx.msk [tilespmem:v6+s3+$0x0], $0xffff  }
0x50: {  	v32 =	vbroadcast v32, $0x0;
	v16 =	vor.u32 s28, v1;
	v21 =	vmov s0;
	v14 =	vld.idx.msk [tilespmem:v14+s3+$0x0], $0xffff  }
0x51: {  	s28 =	simm.s32 $0x160;
	v23 =	vor.u32 $0x180, v23;
	v24 =	vor.u32 v20, v24;
	v25 =	vor.u32 v20, v25;
	v7 =	vld.idx.msk [tilespmem:v7+s3+$0x0], $0xffff  }
0x52: {  	s0 =	simm.s32 $0x120;
	v29 =	vor.u32 v20, v29;
	v27 =	vor.u32 v20, v27;
	v22 =	vmov s28;
	v17 =	vld.idx.msk [tilespmem:v17+s3+$0x0], $0xffff  }
0x53: {  	v21 =	vand.u32 $0x7E, v21;
	v28 =	vmov s0;
	v23 =	vbroadcast v23, $0x0;
	v10 =	vld.idx.msk [tilespmem:v10+s3+$0x0], $0xffff  }
0x54: {  	s28 =	simm.s32 $0x1E0;
	v30 =	vor.u32 v20, v30;
	v32 =	vor.u32 v20, v32;
	v21 =	vor.u32 $0x80, v21;
	v13 =	vld.idx.msk [tilespmem:v13+s3+$0x0], $0xffff  }
0x55: {  	s0 =	simm.s32 $0x1A0;
	v26 =	vmov s28;
	v22 =	vand.u32 $0x7E, v22;
	v28 =	vand.u32 $0x7E, v28;
	v16 =	vld.idx.msk [tilespmem:v16+s3+$0x0], $0xffff  }
0x56: {  	v37 =	vmov s0;
	v21 =	vbroadcast v21, $0x0;
	v26 =	vand.u32 $0x7E, v26;
	v25 =	vld.idx.msk [tilespmem:v25+s15+$0x0], $0xffff  }
0x57: {  	s28 =	simm.s32 $0x0;
	v22 =	vor.u32 $0x100, v22;
	v28 =	vor.u32 $0x100, v28;
	v23 =	vor.u32 v20, v23;
	v24 =	vld.idx.msk [tilespmem:v24+s15+$0x0], $0xffff  }
0x58: {  	v31 =	vmov s28;
	v34 =	vor.u32 s28, v19;
	v35 =	vor.u32 s28, v20;
	v29 =	vld.idx.msk [tilespmem:v29+s15+$0x0], $0xffff  }
0x59: {  	v37 =	vand.u32 $0x7E, v37;
	v28 =	vbroadcast v28, $0x0;
	v31 =	vand.u32 $0x7E, v31;
	v27 =	vld.idx.msk [tilespmem:v27+s15+$0x0], $0xffff  }
0x5a: {  	v22 =	vbroadcast v22, $0x0;
	v21 =	vor.u32 v20, v21;
	v33 =	vor.u32 $0x80, v31;
	v30 =	vld.idx.msk [tilespmem:v30+s15+$0x0], $0xffff  }
0x5b: {  	v26 =	vor.u32 $0x180, v26;
	v28 =	vor.u32 v20, v28;
	v33 =	vbroadcast v33, $0x0;
	v32 =	vld.idx.msk [tilespmem:v32+s15+$0x0], $0xffff  }
0x5c: {  	v26 =	vbroadcast v26, $0x0;
	v36 =	vor.u32 $0x100, v31;
	v22 =	vor.u32 v20, v22;
	v23 =	vld.idx.msk [tilespmem:v23+s15+$0x0], $0xffff  }
0x5d: {  	v37 =	vor.u32 $0x180, v37;
	v36 =	vbroadcast v36, $0x0;
	v33 =	vor.u32 v20, v33;
	v34 =	vld.idx.msk [tilespmem:v34+s16+$0x0], $0xffff  }
0x5e: {  	v31 =	vor.u32 $0x180, v31;
	v37 =	vbroadcast v37, $0x0;
	v26 =	vor.u32 v20, v26;
	v35 =	vld.idx.msk [tilespmem:v35+s15+$0x0], $0xffff  }
0x5f: {  	v31 =	vbroadcast v31, $0x0;
	v36 =	vor.u32 v20, v36;
	v21 =	vld.idx.msk [tilespmem:v21+s15+$0x0], $0xffff  }
0x60: {  	v37 =	vor.u32 v20, v37;
	v28 =	vld.idx.msk [tilespmem:v28+s15+$0x0], $0xffff  }
0x61: {  	v31 =	vor.u32 v20, v31;
	v22 =	vld.idx.msk [tilespmem:v22+s15+$0x0], $0xffff  }
0x62: {  	v29 =	vmul.f32 v29, v6;
	v33 =	vld.idx.msk [tilespmem:v33+s15+$0x0], $0xffff  }
0x63: {  	v24 =	vmul.f32 v24, v4;
	v26 =	vld.idx.msk [tilespmem:v26+s15+$0x0], $0xffff  }
0x64: {  	v25 =	vmul.f32 v25, v5;
	v36 =	vld.idx.msk [tilespmem:v36+s15+$0x0], $0xffff;
	v29 =	vadd.f32 v29, v34;
	v21 =	vmul.f32 v21, v10  }
0x65: {  	v30 =	vmul.f32 v30, v8;
	v56 =	vld.idx.msk [tilespmem:v37+s15+$0x0], $0xffff;
	v35 =	vmul.f32 v35, v3  }
0x66: {  	v31 =	vld.idx.msk [tilespmem:v31+s15+$0x0], $0xffff;
	v22 =	vmul.f32 v22, v14;
	v21 =	vadd.f32 v21, v29;
	v29 =	vmul.f32 v32, v9  }
0x67: {  	v24 =	vadd.f32 v30, v24;
	v28 =	vmul.f32 v28, v12;
	v33 =	vmul.f32 v33, v7  }
0x68: {  	v21 =	vadd.f32 v22, v21;
	v22 =	vadd.f32 v29, v25;
	v25 =	vmul.f32 v27, v13  }
0x69: {  	v26 =	vmul.f32 v26, v18;
	v57 =	vmul.f32 v36, v11;
	v30 =	vadd.f32 v33, v35  }
0x6a: {  	v24 =	vadd.f32 v28, v24;
	v22 =	vadd.f32 v25, v22;
	v25 =	vmul.f32 v56, v16  }
0x6b: {  	v23 =	vmul.f32 v23, v17;
	v28 =	vmul.f32 v31, v15;
	v27 =	vadd.f32 v57, v30  }
0x6c: {  	v21 =	vadd.f32 v26, v21;
	v24 =	vadd.f32 v25, v24  }
0x6d: {  	v22 =	vadd.f32 v23, v22;
	v26 =	vadd.f32 v28, v27  }
0x6e: {  	s1 =	simm.s32 $0x1A1  }
0x6f: {  	s28 =	simm.s32 $0x1;
	v22 =	vadd.f32 v22, v24;
	v24 =	vor.u32 s1, v20;
	v21 =	vadd.f32 v21, v26  }
0x70: {  	v25 =	vor.u32 s28, v20;
	s1 =	simm.s32 $0x41  }
0x71: {  	s30 =	simm.s32 $0xA1;
	v31 =	vor.u32 s1, v20;
	v23 =	vadd.f32 v21, v22  }
0x72: {  	s26 =	simm.s32 $0x3990;
	s29 =	simm.s32 $0x101;
	v21 =	vor.u32 s30, v20  }
0x73: {  	v22 =	vor.u32 s29, v20;
	s29 =	simm.s32 $0x121;
	[tilespmem:s26+$0xFFFFFFF0] =	vst v23  }
0x74: {  	v26 =	vor.u32 s29, v20;
	s29 =	simm.s32 $0x81;
	v27 =	vld.idx.msk [tilespmem:v24+s15+$0x0], $0xffff  }
0x75: {  	s31 =	simm.s32 $0xC1;
	v28 =	vor.u32 s29, v20;
	v25 =	vld.idx.msk [tilespmem:v25+s15+$0x0], $0xffff  }
0x76: {  	s0 =	simm.s32 $0x21;
	v24 =	vor.u32 s31, v20;
	v38 =	vld.idx.msk [tilespmem:v31+s15+$0x0], $0xffff  }
0x77: {  	s29 =	simm.s32 $0xE1;
	v29 =	vld.idx.msk [tilespmem:v21+s15+$0x0], $0xffff;
	v21 =	vor.u32 s0, v20  }
0x78: {  	v30 =	vor.u32 s29, v20;
	s29 =	simm.s32 $0x61;
	v22 =	vld.idx.msk [tilespmem:v22+s15+$0x0], $0xffff  }
0x79: {  	s31 =	simm.s32 $0x161;
	v58 =	vld.idx.msk [tilespmem:v26+s15+$0x0], $0xffff;
	v26 =	vor.u32 s29, v20  }
0x7a: {  	v62 =	vor.u32 s28, v19;
	s28 =	simm.s32 $0x141;
	v60 =	vor.u32 s31, v20;
	v28 =	vld.idx.msk [tilespmem:v28+s15+$0x0], $0xffff  }
0x7b: {  	v63 =	vor.u32 s28, v20;
	v59 =	vld.idx.msk [tilespmem:v24+s15+$0x0], $0xffff  }
0x7c: {  	s28 =	simm.s32 $0x181;
	v61 =	vld.idx.msk [tilespmem:v21+s15+$0x0], $0xffff  }
0x7d: {  	v40 =	vor.u32 s28, v20;
	s28 =	simm.s32 $0x1C1;
	v30 =	vld.idx.msk [tilespmem:v30+s15+$0x0], $0xffff  }
0x7e: {  	v43 =	vor.u32 s28, v20;
	v24 =	vmul.f32 v23, v23;
	v39 =	vmul.f32 v25, v3;
	v41 =	vld.idx.msk [tilespmem:v26+s15+$0x0], $0xffff  }
0x7f: {  	s28 =	simm.s32 $0x1E1;
	v36 =	vmul.f32 v38, v5;
	v42 =	vld.idx.msk [tilespmem:v60+s15+$0x0], $0xffff;
	v29 =	vmul.f32 v29, v8  }
0x80: {  	v31 =	vor.u32 s28, v20;
	v34 =	vld.idx.msk [tilespmem:v63+s15+$0x0], $0xffff;
	v26 =	vmul.f32 v27, v16;
	v27 =	vmul.f32 v28, v7  }
0x81: {  	v25 =	vld.idx.msk [tilespmem:v62+s16+$0x0], $0xffff;
	v21 =	vimm.f32 $0.0e+00;
	v22 =	vmul.f32 v22, v11;
	v28 =	vmul.f32 v61, v4  }
0x82: {  	v37 =	vmul.f32 v58, v12;
	v32 =	vmul.f32 v59, v9;
	v39 =	vadd.f32 v27, v39  }
0x83: {  	v33 =	vld.idx.msk [tilespmem:v43+s15+$0x0], $0xffff;
	v30 =	vmul.f32 v30, v10;
	v38 =	vmul.f32 v41, v6;
	v35 =	vadd.f32 v29, v28  }
0x84: {  	s28 =	simm.s32 $0x1E3;
	s29 =	simm.s32 $0x39B0;
	v27 =	vld.idx.msk [tilespmem:v40+s15+$0x0], $0xffff;
	v29 =	vadd.f32 v22, v39;
	v28 =	vmul.f32 v42, v14;
	v22 =	vimm.f32 $0.0e+00  }
.LBB2_3:
0x85: {  	s30 =	sadd.s32 $0xFFFFFEFF, s28;
	s31 =	sadd.s32 $0xFFFFFF7F, s28;
	s1 =	sadd.s32 $0xFFFFFFDF, s28;
	v32 =	vadd.f32 v32, v36;
	v35 =	vadd.f32 v37, v35;
	v34 =	vmul.f32 v34, v13  }
0x86: {  	p0 =	sne.s32 s28, $0x1FF;
	v36 =	vmov s30;
	v37 =	vmov s31;
	v25 =	vadd.f32 v38, v25;
	s30 =	smov.u32 s28;
	s28 =	sadd.s32 $0x2, s28  }
0x87: {  	v38 =	vmov s1;
	v32 =	vadd.f32 v34, v32;
	v26 =	vadd.f32 v26, v35  }
0x88: {  	v33 =	vmul.f32 v33, v17;
	s1 =	sadd.s32 $0xFFFFFE3F, s30;
	v34 =	vand.u32 $0x7E, v36;
	v35 =	vand.u32 $0x7E, v38;
	v31 =	vld.idx.msk [tilespmem:v31+s15+$0x0], $0xffff  }
0x89: {  	v36 =	vmov s1;
	v35 =	vor.u32 $0x180, v35;
	v25 =	vadd.f32 v30, v25  }
0x8a: {  	v27 =	vmul.f32 v27, v15;
	s1 =	sadd.s32 $0xFFFFFE5F, s30;
	v34 =	vor.u32 $0x80, v34;
	v30 =	vand.u32 $0x7E, v36  }
0x8b: {  	v36 =	vmov s1;
	v34 =	vbroadcast v34, $0x0;
	s1 =	sadd.s32 $0xFFFFFF5F, s30;
	v32 =	vadd.f32 v33, v32  }
0x8c: {  	v37 =	vand.u32 $0x7E, v37;
	v33 =	vand.u32 $0x7E, v36;
	v36 =	vmov s1  }
0x8d: {  	v27 =	vadd.f32 v27, v29;
	v37 =	vor.u32 $0x100, v37;
	v33 =	vbroadcast v33, $0x0  }
0x8e: {  	v29 =	vand.u32 $0x7E, v36;
	v36 =	vbroadcast v37, $0x0;
	v31 =	vmul.f32 v31, v18  }
0x8f: {  	v35 =	vbroadcast v35, $0x0;
	v25 =	vadd.f32 v28, v25;
	v29 =	vor.u32 $0x100, v29  }
0x90: {  	v21 =	vadd.f32 v23, v21;
	v23 =	vadd.f32 v32, v26;
	v28 =	vbroadcast v29, $0x0  }
0x91: {  	v22 =	vadd.f32 v24, v22;
	s1 =	sadd.s32 $0xFFFFFFFF, s30;
	v24 =	vadd.f32 v31, v25  }
0x92: {  	s31 =	sadd.s32 $0xFFFFFFBF, s30;
	v26 =	vor.u32 v20, v36;
	v25 =	vor.u32 v20, v28;
	v28 =	vmov s1  }
0x93: {  	v29 =	vmov s31;
	s1 =	sadd.s32 $0xFFFFFF3F, s30;
	v28 =	vand.u32 $0x7E, v28;
	v24 =	vadd.f32 v24, v27  }
0x94: {  	v29 =	vand.u32 $0x7E, v29;
	v27 =	vmov s1;
	v28 =	vor.u32 $0x180, v28  }
0x95: {  	v27 =	vand.u32 $0x7E, v27;
	v28 =	vbroadcast v28, $0x0;
	v23 =	vadd.f32 v24, v23  }
0x96: {  	v24 =	vor.u32 $0x100, v27;
	v27 =	vor.u32 $0x180, v29;
	v29 =	vor.u32 v20, v35  }
0x97: {  	v30 =	vbroadcast v30, $0x0;
	v24 =	vbroadcast v24, $0x0;
	v28 =	vor.u32 v20, v28;
	[tilespmem:s26+$0x0] =	vst v23;
	s26 =	smov.u32 s29  }
0x98: {  	v27 =	vbroadcast v27, $0x0;
	v21 =	vadd.f32 v23, v21;
	v23 =	vmul.f32 v23, v23  }
0x99: {  	v30 =	vor.u32 v20, v30;
	v31 =	vor.u32 v20, v33;
	s1 =	sadd.s32 $0xFFFFFE7F, s30;
	v24 =	vor.u32 v20, v24  }
0x9a: {  	s0 =	sadd.s32 $0xFFFFFEDF, s30;
	s31 =	sadd.s32 $0xFFFFFE1F, s30;
	v33 =	vor.u32 v20, v34;
	v32 =	vmov s1;
	s1 =	sadd.s32 $0xFFFFFEBF, s30;
	v22 =	vadd.f32 v23, v22  }
0x9b: {  	v32 =	vand.u32 $0x7E, v32;
	v34 =	vmov s1;
	v23 =	vor.u32 s31, v20  }
0x9c: {  	v35 =	vmov s31;
	v32 =	vbroadcast v32, $0x0;
	v34 =	vand.u32 $0x7E, v34;
	v28 =	vld.idx.msk [tilespmem:v28+s15+$0x0], $0xffff  }
0x9d: {  	v36 =	vmov s0;
	v35 =	vand.u32 $0x7E, v35;
	v34 =	vor.u32 $0x80, v34;
	v29 =	vld.idx.msk [tilespmem:v29+s15+$0x0], $0xffff  }
0x9e: {  	v37 =	vor.u32 $0x80, v35;
	v32 =	vor.u32 v20, v32;
	v34 =	vbroadcast v34, $0x0;
	v24 =	vld.idx.msk [tilespmem:v24+s15+$0x0], $0xffff  }
0x9f: {  	v38 =	vor.u32 s31, v19;
	v36 =	vand.u32 $0x7E, v36;
	v37 =	vbroadcast v37, $0x0;
	v26 =	vld.idx.msk [tilespmem:v26+s15+$0x0], $0xffff  }
0xa0: {  	v36 =	vor.u32 $0x80, v36;
	v39 =	vor.u32 $0x180, v35;
	v34 =	vor.u32 v20, v34;
	v31 =	vld.idx.msk [tilespmem:v31+s15+$0x0], $0xffff  }
0xa1: {  	v36 =	vbroadcast v36, $0x0;
	v35 =	vor.u32 $0x100, v35;
	v39 =	vbroadcast v39, $0x0;
	v30 =	vld.idx.msk [tilespmem:v30+s15+$0x0], $0xffff  }
0xa2: {  	v35 =	vbroadcast v35, $0x0;
	v27 =	vor.u32 v20, v27;
	v37 =	vor.u32 v20, v37;
	v33 =	vld.idx.msk [tilespmem:v33+s15+$0x0], $0xffff  }
0xa3: {  	v36 =	vor.u32 v20, v36;
	v39 =	vor.u32 v20, v39;
	v32 =	vld.idx.msk [tilespmem:v32+s15+$0x0], $0xffff  }
0xa4: {  	v35 =	vor.u32 v20, v35;
	v38 =	vld.idx.msk [tilespmem:v38+s16+$0x0], $0xffff  }
0xa5: {  	v23 =	vld.idx.msk [tilespmem:v23+s15+$0x0], $0xffff  }
0xa6: {  	v34 =	vld.idx.msk [tilespmem:v34+s15+$0x0], $0xffff  }
0xa7: {  	v37 =	vld.idx.msk [tilespmem:v37+s15+$0x0], $0xffff  }
0xa8: {  	v28 =	vmul.f32 v28, v18;
	v36 =	vld.idx.msk [tilespmem:v36+s15+$0x0], $0xffff  }
0xa9: {  	v32 =	vmul.f32 v32, v6;
	v35 =	vld.idx.msk [tilespmem:v35+s15+$0x0], $0xffff  }
0xaa: {  	v24 =	vmul.f32 v24, v12;
	v26 =	vmul.f32 v26, v14;
	v25 =	vld.idx.msk [tilespmem:v25+s15+$0x0], $0xffff  }
0xab: {  	v31 =	vmul.f32 v31, v5;
	v33 =	vmul.f32 v33, v10;
	v32 =	vadd.f32 v32, v38;
	v38 =	vld.idx.msk [tilespmem:v39+s15+$0x0], $0xffff  }
0xac: {  	v30 =	vmul.f32 v30, v4;
	v34 =	vmul.f32 v34, v8;
	v27 =	vld.idx.msk [tilespmem:v27+s15+$0x0], $0xffff  }
0xad: {  	v23 =	vmul.f32 v23, v3;
	v37 =	vmul.f32 v37, v7;
	v32 =	vadd.f32 v33, v32  }
0xae: {  	v30 =	vadd.f32 v34, v30;
	v33 =	vmul.f32 v36, v9  }
0xaf: {  	v23 =	vadd.f32 v37, v23;
	v34 =	vmul.f32 v35, v11;
	v26 =	vadd.f32 v26, v32  }
0xb0: {  	v31 =	vadd.f32 v33, v31;
	v24 =	vadd.f32 v24, v30;
	v25 =	vmul.f32 v25, v13  }
0xb1: {  	v23 =	vadd.f32 v34, v23;
	v30 =	vmul.f32 v38, v15;
	v26 =	vadd.f32 v28, v26  }
0xb2: {  	v28 =	vmul.f32 v29, v17;
	v25 =	vadd.f32 v25, v31;
	v27 =	vmul.f32 v27, v16  }
0xb3: {  	v23 =	vadd.f32 v30, v23  }
0xb4: {  	v24 =	vadd.f32 v27, v24;
	v25 =	vadd.f32 v28, v25  }
0xb5: {  	s0 =	sadd.s32 $0xFFFFFFC0, s30;
	v23 =	vadd.f32 v26, v23  }
0xb6: {  	s1 =	sadd.s32 $0xFFFFFE20, s30;
	v24 =	vadd.f32 v25, v24;
	v25 =	vor.u32 s0, v20  }
0xb7: {  	v26 =	vor.u32 s1, v20  }
0xb8: {  	v27 =	vor.u32 s1, v19;
	s0 =	sadd.s32 $0xFFFFFEC0, s30;
	v23 =	vadd.f32 v23, v24  }
0xb9: {  	v28 =	vor.u32 s0, v20;
	s0 =	sadd.s32 $0xFFFFFF80, s30  }
0xba: {  	s1 =	sadd.s32 $0xFFFFFF20, s30;
	v29 =	vor.u32 s0, v20;
	v24 =	vmul.f32 v23, v23;
	[tilespmem:s29+$0xFFFFFFF0] =	vst v23  }
0xbb: {  	v30 =	vor.u32 s1, v20;
	s0 =	sadd.s32 $0xFFFFFF40, s30;
	v31 =	vld.idx.msk [tilespmem:v25+s15+$0x0], $0xffff  }
0xbc: {  	s1 =	sadd.s32 $0xFFFFFEE0, s30;
	v32 =	vor.u32 s0, v20;
	v26 =	vld.idx.msk [tilespmem:v26+s15+$0x0], $0xffff  }
0xbd: {  	s0 =	sadd.s32 $0xFFFFFEA0, s30;
	v25 =	vld.idx.msk [tilespmem:v27+s16+$0x0], $0xffff;
	v27 =	vor.u32 s1, v20  }
0xbe: {  	v33 =	vor.u32 s0, v20;
	s1 =	sadd.s32 $0xFFFFFE40, s30;
	v28 =	vld.idx.msk [tilespmem:v28+s15+$0x0], $0xffff  }
0xbf: {  	s0 =	sadd.s32 $0xFFFFFF00, s30;
	v34 =	vor.u32 s1, v20;
	v39 =	vld.idx.msk [tilespmem:v29+s15+$0x0], $0xffff  }
0xc0: {  	s1 =	sadd.s32 $0xFFFFFE60, s30;
	v29 =	vor.u32 s0, v20;
	v35 =	vld.idx.msk [tilespmem:v30+s15+$0x0], $0xffff  }
0xc1: {  	s0 =	sadd.s32 $0xFFFFFE80, s30;
	v30 =	vor.u32 s1, v20;
	v37 =	vld.idx.msk [tilespmem:v32+s15+$0x0], $0xffff  }
0xc2: {  	v36 =	vmul.f32 v26, v3;
	v32 =	vor.u32 s0, v20;
	s0 =	sadd.s32 $0xFFFFFF60, s30;
	v27 =	vld.idx.msk [tilespmem:v27+s15+$0x0], $0xffff  }
0xc3: {  	v38 =	vor.u32 s0, v20;
	s0 =	sadd.s32 $0xFFFFFFA0, s30;
	v33 =	vld.idx.msk [tilespmem:v33+s15+$0x0], $0xffff  }
0xc4: {  	v41 =	vor.u32 s0, v20;
	s0 =	sadd.s32 $0xFFFFFFE0, s30;
	v40 =	vld.idx.msk [tilespmem:v34+s15+$0x0], $0xffff  }
0xc5: {  	v26 =	vmul.f32 v31, v16;
	v31 =	vor.u32 s0, v20;
	v29 =	vld.idx.msk [tilespmem:v29+s15+$0x0], $0xffff  }
0xc6: {  	v42 =	vld.idx.msk [tilespmem:v30+s15+$0x0], $0xffff  }
0xc7: {  	v43 =	vld.idx.msk [tilespmem:v32+s15+$0x0], $0xffff  }
0xc8: {  	v32 =	vmul.f32 v27, v9;
	v34 =	vld.idx.msk [tilespmem:v38+s15+$0x0], $0xffff  }
.Ltmp0:
0xc9: {  	v30 =	vmul.f32 v33, v7;
	v27 =	vld.idx.msk [tilespmem:v41+s15+$0x0], $0xffff;
	(pc) =	sbr.rel @p0 .LBB2_3-.Ltmp0, $4  }
0xca: {  	v28 =	vmul.f32 v28, v8;
	v38 =	vmul.f32 v40, v4;
	v33 =	vld.idx.msk [tilespmem:v31+s15+$0x0], $0xffff;
	v31 =	vor.u32 s30, v20  }
0xcb: {  	v40 =	vadd.f32 v30, v36;
	v30 =	vmul.f32 v29, v10;
	v29 =	vmul.f32 v35, v11  }
0xcc: {  	v37 =	vmul.f32 v37, v12;
	v36 =	vmul.f32 v42, v5;
	v35 =	vadd.f32 v28, v38  }
0xcd: {  	s29 =	sadd.s32 $0x20, s29;
	v28 =	vmul.f32 v39, v14;
	v38 =	vmul.f32 v43, v6;
	v29 =	vadd.f32 v29, v40  }
0xce: {  	_ =	sdelay $0x3  }
0xcf: {  	v19 =	vld.idx.msk [tilespmem:v31+s15+$0x0], $0xffff  }
0xd0: {  	v20 =	vadd.f32 v38, v25  }
0xd1: {  	v31 =	vmul.f32 v34, v13;
	v25 =	vadd.f32 v32, v36  }
0xd2: {  	v20 =	vadd.f32 v30, v20  }
0xd3: {  	v27 =	vmul.f32 v27, v15;
	v30 =	vadd.f32 v37, v35;
	v25 =	vadd.f32 v31, v25  }
0xd4: {  	v31 =	vmul.f32 v33, v17;
	v19 =	vmul.f32 v19, v18;
	v20 =	vadd.f32 v28, v20  }
0xd5: {  	v27 =	vadd.f32 v27, v29;
	v26 =	vadd.f32 v26, v30  }
0xd6: {  	v25 =	vadd.f32 v31, v25;
	v19 =	vadd.f32 v19, v20;
	_ =	sdelay $0x1  }
0xd7: {  	v20 =	vadd.f32 v25, v26;
	v19 =	vadd.f32 v19, v27;
	_ =	sdelay $0x1  }
0xd8: {  	v21 =	vadd.f32 v23, v21;
	v19 =	vadd.f32 v19, v20;
	_ =	sdelay $0x1  }
0xd9: {  	v20 =	vadd.f32 v24, v22;
	v21 =	vadd.f32 v19, v21;
	v22 =	vmul.f32 v19, v19;
	_ =	sdelay $0x1  }
0xda: {  	v20 =	vadd.f32 v22, v20;
	v21 =	vmul.f32 $3.125000000e-02, v21;
	_ =	sdelay $0x1  }
0xdb: {  	v20 =	vmul.f32 $3.125000000e-02, v20;
	v22 =	vmul.f32 v21, v21;
	_ =	sdelay $0x1  }
0xdc: {  	v20 =	vsub.f32 v20, v22;
	_ =	sdelay $0x1  }
0xdd: {  	v20 =	vmax.f32 v20, $0.0e+00  }
0xde: {  	v20 =	vadd.f32 $1.000000010e-10, v20;
	_ =	sdelay $0x1  }
0xdf: {  	v22 =	vshra.s32 v20, $0x1;
	v20 =	vmul.f32 $5.000000000e-01, v20  }
0xe0: {  	v22 =	vsub.s32 $0x5F3759DF, v22  }
0xe1: {  	v23 =	vmul.f32 v22, v20;
	_ =	sdelay $0x1  }
0xe2: {  	v23 =	vmul.f32 v22, v23;
	_ =	sdelay $0x1  }
0xe3: {  	v23 =	vsub.f32 $1.500000000e+00, v23;
	_ =	sdelay $0x1  }
0xe4: {  	v22 =	vmul.f32 v22, v23;
	_ =	sdelay $0x1  }
0xe5: {  	v20 =	vmul.f32 v22, v20;
	_ =	sdelay $0x1  }
0xe6: {  	v20 =	vmul.f32 v20, v22;
	_ =	sdelay $0x1  }
0xe7: {  	v20 =	vsub.f32 $1.500000000e+00, v20;
	_ =	sdelay $0x1  }
0xe8: {  	s28 =	simm.s32 $0x0;
	[tilespmem:s26+$0x0] =	vst v19;
	v19 =	vmul.f32 v20, v22  }
0xe9: {  	v25 =	vld [tilespmem:s28+$0x3990]  }
0xea: {  	v20 =	vmul.f32 $1.000000010e-10, v19;
	_ =	sdelay $0x1  }
0xeb: {  	v20 =	vmul.f32 v20, v19  }
0xec: {  	v29 =	vld [tilespmem:s28+$0x3980]  }
0xed: {  	v26 =	vsub.f32 v19, v20;
	v19 =	vsub.f32 v25, v21;
	_ =	sdelay $0x1  }
0xee: {  	v19 =	vmul.f32 v19, v26;
	_ =	sdelay $0x1  }
0xef: {  	v20 =	vsub.f32 v29, v21;
	v19 =	vsub.f32 $0.0e+00, v19  }
0xf0: {  	s30 =	simm.s32 $0x20  }
0xf1: {  	v30 =	vld [tilespmem:s30+$0x3990];
	v20 =	vmul.f32 v20, v26;
	v19 =	vmul.f32 $1.442695020e+00, v19;
	_ =	sdelay $0x1  }
0xf2: {  	v20 =	vsub.f32 $0.0e+00, v20;
	(erf) = vpow2.f32 v19  }
0xf3: {  	v23 =	vld [tilespmem:s30+$0x3980]  }
0xf4: {  	v19 =	vmul.f32 $1.442695020e+00, v20  }
0xf5: {  	v20 =	vsub.f32 v30, v21  }
0xf6: {  	(erf) = vpow2.f32 v19  }
0xf7: {  	v19 =	vmul.f32 v20, v26  }
0xf8: {  	v20 =	vsub.f32 v23, v21  }
0xf9: {  	v19 =	vsub.f32 $0.0e+00, v19  }
0xfa: {  	v20 =	vmul.f32 v20, v26  }
0xfb: {  	s29 =	simm.s32 $0x40;
	v19 =	vmul.f32 $1.442695020e+00, v19;
	v22 =	vpop (erf)  }
0xfc: {  	v24 =	vld [tilespmem:s29+$0x3990];
	v20 =	vsub.f32 $0.0e+00, v20;
	v22 =	vadd.f32 $1.000000000e+00, v22  }
0xfd: {  	(erf) = vpow2.f32 v19;
	v19 =	vld [tilespmem:s29+$0x3980]  }
0xfe: {  	v20 =	vmul.f32 $1.442695020e+00, v20;
	v27 =	vsub.s32 $0x7EF311C3, v22  }
0xff: {  	v28 =	vpop (erf);
	v31 =	vmul.f32 v27, v22  }
0x100: {  	(erf) = vpow2.f32 v20;
	v28 =	vadd.f32 $1.000000000e+00, v28  }
0x101: {  	v20 =	vsub.f32 $2.000000000e+00, v31  }
0x102: {  	v57 =	vsub.s32 $0x7EF311C3, v28;
	v59 =	vsub.f32 v19, v21;
	v31 =	vsub.f32 v24, v21  }
0x103: {  	v58 =	vmul.f32 v57, v28;
	v20 =	vmul.f32 v27, v20  }
0x104: {  	v34 =	vmul.f32 v59, v26;
	v31 =	vmul.f32 v31, v26  }
0x105: {  	v60 =	vld [tilespmem:s28+$0x3500];
	v33 =	vsub.f32 $2.000000000e+00, v58;
	v22 =	vmul.f32 v20, v22  }
0x106: {  	v63 =	vld [tilespmem:s28+$0x3510];
	v47 =	vsub.f32 $0.0e+00, v34;
	v31 =	vsub.f32 $0.0e+00, v31  }
0x107: {  	v61 =	vld [tilespmem:s28+$0x3300];
	v62 =	vpop (erf);
	v32 =	vmul.f32 v57, v33;
	v39 =	vsub.f32 $2.000000000e+00, v22  }
0x108: {  	s26 =	simm.s32 $0x60;
	v48 =	vld [tilespmem:s28+$0x3310];
	v40 =	vadd.f32 $1.000000000e+00, v62;
	v33 =	vmul.f32 $1.442695020e+00, v47;
	v31 =	vmul.f32 $1.442695020e+00, v31  }
0x109: {  	v50 =	vpop (erf);
	v22 =	vld [tilespmem:s26+$0x3990];
	v28 =	vmul.f32 v32, v28;
	v49 =	vmul.f32 v39, v20  }
0x10a: {  	v44 =	vld [tilespmem:s28+$0x3700];
	v43 =	vadd.f32 $1.000000000e+00, v50;
	(erf) = vpow2.f32 v31;
	v31 =	vsub.s32 $0x7EF311C3, v40  }
0x10b: {  	v20 =	vld [tilespmem:s26+$0x3980];
	v41 =	vmul.f32 v31, v40;
	v37 =	vmul.f32 v49, v63  }
0x10c: {  	v45 =	vld [tilespmem:s30+$0x3500];
	v28 =	vsub.f32 $2.000000000e+00, v28;
	v46 =	vsub.s32 $0x7EF311C3, v43;
	(erf) = vpow2.f32 v33  }
0x10d: {  	v52 =	vld [tilespmem:s28+$0x3710];
	v47 =	vmul.f32 v46, v43;
	v51 =	vsub.f32 $2.000000000e+00, v41;
	v34 =	vadd.f32 v37, v48  }
0x10e: {  	v38 =	vld [tilespmem:s30+$0x3300];
	v28 =	vmul.f32 v28, v32;
	v53 =	vsub.f32 v22, v21  }
0x10f: {  	v27 =	vld [tilespmem:$0x3900];
	v56 =	vsub.f32 $2.000000000e+00, v47;
	v31 =	vmul.f32 v31, v51;
	v25 =	vmul.f32 v34, v25  }
0x110: {  	v58 =	vld [tilespmem:s30+$0x3510];
	v28 =	vmul.f32 v28, v60;
	v54 =	vsub.f32 v20, v21;
	v55 =	vmul.f32 v53, v26  }
0x111: {  	v42 =	vimm.f32 $0.0e+00;
	v39 =	vld [tilespmem:s29+$0x3500];
	v46 =	vmul.f32 v46, v56;
	v40 =	vmul.f32 v31, v40  }
0x112: {  	v33 =	vld [tilespmem:s29+$0x3300];
	v36 =	vadd.f32 v28, v61;
	v32 =	vmul.f32 v54, v26;
	v57 =	vsub.f32 $0.0e+00, v55  }
0x113: {  	s28 =	simm.s32 $0x80;
	v49 =	vld [tilespmem:s30+$0x3310];
	v43 =	vmul.f32 v46, v43;
	v48 =	vmul.f32 v25, v52;
	v59 =	vsub.f32 $2.000000000e+00, v40;
	v25 =	vpop (erf)  }
0x114: {  	v28 =	vld [tilespmem:s28+$0x3980];
	v32 =	vsub.f32 $0.0e+00, v32;
	v35 =	vmul.f32 $1.442695020e+00, v57;
	v40 =	vadd.f32 $1.000000000e+00, v25  }
0x115: {  	v52 =	vmul.f32 v36, v29;
	v43 =	vsub.f32 $2.000000000e+00, v43;
	v25 =	vld [tilespmem:s28+$0x3990];
	v34 =	vmul.f32 v59, v31  }
0x116: {  	v37 =	vld [tilespmem:s30+$0x3700];
	v60 =	vpop (erf);
	v32 =	vmul.f32 $1.442695020e+00, v32;
	(erf) = vpow2.f32 v35;
	v61 =	vsub.s32 $0x7EF311C3, v40  }
0x117: {  	v51 =	vld [tilespmem:s30+$0x3710];
	v41 =	vadd.f32 $1.000000000e+00, v60;
	v47 =	vmul.f32 v34, v58;
	v50 =	vmul.f32 v61, v40  }
0x118: {  	v29 =	vld [tilespmem:s26+$0x3700];
	v42 =	vadd.f32 v48, v42;
	v43 =	vmul.f32 v43, v46;
	(erf) = vpow2.f32 v32  }
0x119: {  	v36 =	vld [tilespmem:s28+$0x3500];
	v53 =	vsub.s32 $0x7EF311C3, v41;
	v47 =	vadd.f32 v47, v49;
	v62 =	vsub.f32 $2.000000000e+00, v50  }
0x11a: {  	v48 =	vld [tilespmem:s29+$0x3310];
	v54 =	vsub.f32 v28, v21;
	v57 =	vmul.f32 v53, v41;
	v63 =	vsub.f32 v25, v21  }
0x11b: {  	v31 =	vld [tilespmem:s29+$0x3700];
	v30 =	vmul.f32 v47, v30;
	v46 =	vmul.f32 v61, v62  }
0x11c: {  	v35 =	vld [tilespmem:s28+$0x3300];
	v58 =	vmul.f32 v63, v26;
	v61 =	vmul.f32 v54, v26  }
0x11d: {  	v32 =	vld [tilespmem:s26+$0x3300];
	v59 =	vsub.f32 $2.000000000e+00, v57;
	v60 =	vmul.f32 v30, v51;
	v40 =	vmul.f32 v46, v40  }
0x11e: {  	v45 =	vmul.f32 v43, v45;
	v47 =	vld [tilespmem:s29+$0x3510];
	v62 =	vsub.f32 $0.0e+00, v58;
	v51 =	vsub.f32 $0.0e+00, v61  }
0x11f: {  	v34 =	vld [tilespmem:s26+$0x3500];
	v43 =	vmul.f32 v53, v59;
	v63 =	vpop (erf);
	v49 =	vsub.f32 $2.000000000e+00, v40;
	v40 =	vadd.f32 v60, v42  }
0x120: {  	s31 =	simm.s32 $0x300;
	s30 =	simm.s32 $0xA0;
	v30 =	vld [tilespmem:s28+$0x3700];
	v42 =	vmul.f32 v52, v44;
	v50 =	vmul.f32 $1.442695020e+00, v62;
	v44 =	vadd.f32 $1.000000000e+00, v63  }
.LBB2_5:
0x121: {  	p0 =	sne.s32 s31, $0x780;
	v52 =	vld [tilespmem:s30+$0x3990];
	v53 =	vpop (erf);
	v54 =	vmul.f32 v43, v41;
	v46 =	vmul.f32 v49, v46;
	v45 =	vadd.f32 v45, v38  }
0x122: {  	v38 =	vmovc v33;
	v33 =	vmovc v32;
	v49 =	vld [tilespmem:s30+$0x3980];
	v51 =	vmul.f32 $1.442695020e+00, v51;
	(erf) = vpow2.f32 v50;
	v50 =	vsub.s32 $0x7EF311C3, v44  }
0x123: {  	v32 =	vmovc v35;
	v56 =	vmovc v31;
	v41 =	vadd.f32 $1.000000000e+00, v53;
	v55 =	vld [tilespmem:s30+$0x3500];
	v53 =	vmul.f32 v50, v44;
	v46 =	vmul.f32 v46, v47  }
0x124: {  	v47 =	vsub.f32 $2.000000000e+00, v54;
	v54 =	vmul.f32 v45, v23;
	v23 =	vmovc v19;
	v19 =	vmovc v20;
	(erf) = vpow2.f32 v51;
	v51 =	vld [tilespmem:s29+$0x3710];
	s29 =	smov.u32 s26;
	s26 =	smov.u32 s28;
	s28 =	smov.u32 s30  }
0x125: {  	v31 =	vmovc v29;
	v20 =	vmovc v28;
	v57 =	vsub.s32 $0x7EF311C3, v41;
	v35 =	vld [tilespmem:s28+$0x3300];
	v45 =	vsub.f32 $2.000000000e+00, v53;
	v48 =	vadd.f32 v46, v48  }
0x126: {  	v29 =	vmovc v30;
	v53 =	vmul.f32 v57, v41;
	v43 =	vmul.f32 v47, v43;
	v58 =	vsub.f32 v52, v21;
	v30 =	vld [tilespmem:s28+$0x3700]  }
0x127: {  	v47 =	vsub.f32 v49, v21;
	v46 =	vmul.f32 v50, v45;
	v48 =	vmul.f32 v48, v24;
	v24 =	vmovc v22  }
.Ltmp1:
0x128: {  	v53 =	vsub.f32 $2.000000000e+00, v53;
	v45 =	vmul.f32 v43, v39;
	v22 =	vmovc v25;
	v25 =	vmovc v52;
	v50 =	vmul.f32 v58, v26;
	(pc) =	sbr.rel @p0 .LBB2_5-.Ltmp1, $4  }
0x129: {  	v27 =	vadd.f32 v42, v27;
	v28 =	vmovc v49;
	v44 =	vmul.f32 v46, v44;
	v48 =	vmul.f32 v48, v51  }
0x12a: {  	v39 =	vmovc v34;
	v34 =	vmovc v36;
	v51 =	vmul.f32 v47, v26;
	v43 =	vmul.f32 v57, v53;
	v50 =	vsub.f32 $0.0e+00, v50;
	v47 =	vld [tilespmem:s29+$0x3510]  }
0x12b: {  	v42 =	vmul.f32 v54, v37;
	v36 =	vpop (erf);
	v49 =	vsub.f32 $2.000000000e+00, v44;
	v40 =	vadd.f32 v48, v40  }
0x12c: {  	s30 =	sshra.s32 s31, $0x2;
	s31 =	sadd.s32 $0x80, s31;
	v37 =	vmovc v56;
	v51 =	vsub.f32 $0.0e+00, v51;
	v50 =	vmul.f32 $1.442695020e+00, v50;
	v44 =	vadd.f32 $1.000000000e+00, v36;
	v48 =	vld [tilespmem:s29+$0x3310];
	v36 =	vmovc v55  }
0x12d: {  	v52 =	vld [tilespmem:s30+$0x3990]  }
0x12e: {  	v53 =	vld [tilespmem:s30+$0x3980];
	_ =	sdelay $0x3  }
0x12f: {  	v54 =	vsub.f32 v52, v21  }
0x130: {  	v55 =	vmul.f32 v43, v41;
	v46 =	vmul.f32 v49, v46;
	v63 =	vsub.f32 v53, v21  }
0x131: {  	v57 =	vmul.f32 $1.442695020e+00, v51;
	v54 =	vmul.f32 v54, v26  }
0x132: {  	v59 =	vpop (erf);
	v38 =	vadd.f32 v45, v38;
	(erf) = vpow2.f32 v50;
	v21 =	vmul.f32 v63, v26  }
0x133: {  	v58 =	vsub.s32 $0x7EF311C3, v44;
	v61 =	vadd.f32 $1.000000000e+00, v59;
	v56 =	vsub.f32 $0.0e+00, v54  }
0x134: {  	v46 =	vmul.f32 v46, v47;
	(erf) = vpow2.f32 v57;
	v21 =	vsub.f32 $0.0e+00, v21  }
0x135: {  	v60 =	vmul.f32 v58, v44;
	v49 =	vsub.s32 $0x7EF311C3, v61;
	v41 =	vmul.f32 $1.442695020e+00, v56  }
0x136: {  	v46 =	vadd.f32 v46, v48;
	v48 =	vmul.f32 v49, v61;
	v21 =	vmul.f32 $1.442695020e+00, v21  }
0x137: {  	v62 =	vld [tilespmem:s29+$0x3710];
	v23 =	vmul.f32 v38, v23;
	v26 =	vsub.f32 $2.000000000e+00, v55;
	(erf) = vpow2.f32 v41  }
0x138: {  	v50 =	vsub.f32 $2.000000000e+00, v48;
	(erf) = vpow2.f32 v21  }
0x139: {  	v23 =	vmul.f32 v23, v37;
	v63 =	vsub.f32 $2.000000000e+00, v60;
	v26 =	vmul.f32 v26, v43  }
0x13a: {  	v24 =	vmul.f32 v46, v24;
	v38 =	vmul.f32 v49, v50  }
0x13b: {  	v47 =	vmul.f32 v58, v63;
	v54 =	vpop (erf);
	v26 =	vmul.f32 v26, v39  }
0x13c: {  	v21 =	vmul.f32 v24, v62;
	v24 =	vadd.f32 v42, v27;
	v42 =	vadd.f32 $1.000000000e+00, v54  }
0x13d: {  	v51 =	vmul.f32 v47, v44;
	v55 =	vpop (erf);
	v41 =	vmul.f32 v38, v61  }
0x13e: {  	v26 =	vadd.f32 v26, v33;
	v27 =	vadd.f32 $1.000000000e+00, v55;
	v58 =	vsub.s32 $0x7EF311C3, v42  }
0x13f: {  	v56 =	vsub.f32 $2.000000000e+00, v51;
	v41 =	vsub.f32 $2.000000000e+00, v41;
	v60 =	vmul.f32 v58, v42  }
0x140: {  	v19 =	vmul.f32 v26, v19;
	v21 =	vadd.f32 v21, v40;
	v61 =	vsub.s32 $0x7EF311C3, v27;
	v57 =	vpop (erf)  }
0x141: {  	v40 =	vld [tilespmem:s26+$0x3510];
	v62 =	vmul.f32 v61, v27;
	v38 =	vmul.f32 v41, v38;
	v45 =	vsub.f32 $2.000000000e+00, v60;
	v59 =	vpop (erf)  }
0x142: {  	v39 =	vmul.f32 v56, v47;
	v37 =	vadd.f32 $1.000000000e+00, v57;
	v44 =	vadd.f32 $1.000000000e+00, v59  }
0x143: {  	v63 =	vld [tilespmem:s26+$0x3310];
	v19 =	vmul.f32 v19, v31;
	v56 =	vsub.f32 $2.000000000e+00, v62;
	v34 =	vmul.f32 v38, v34  }
0x144: {  	v58 =	vmul.f32 v58, v45;
	v48 =	vsub.s32 $0x7EF311C3, v37;
	v55 =	vsub.s32 $0x7EF311C3, v44  }
0x145: {  	v54 =	vmul.f32 v48, v37;
	v57 =	vmul.f32 v55, v44  }
0x146: {  	v39 =	vmul.f32 v39, v40;
	v60 =	vmul.f32 v61, v56;
	v32 =	vadd.f32 v34, v32  }
0x147: {  	v42 =	vmul.f32 v58, v42;
	v59 =	vsub.f32 $2.000000000e+00, v54;
	v61 =	vsub.f32 $2.000000000e+00, v57  }
0x148: {  	v49 =	vld [tilespmem:s28+$0x3310];
	v39 =	vadd.f32 v39, v63;
	v27 =	vmul.f32 v60, v27;
	v20 =	vmul.f32 v32, v20  }
0x149: {  	v63 =	vld [tilespmem:s28+$0x3510];
	v43 =	vmul.f32 v48, v59;
	v33 =	vmul.f32 v55, v61  }
0x14a: {  	v50 =	vld [tilespmem:s30+$0x3510];
	v22 =	vmul.f32 v39, v22;
	v27 =	vsub.f32 $2.000000000e+00, v27;
	v48 =	vsub.f32 $2.000000000e+00, v42  }
0x14b: {  	v62 =	vld [tilespmem:s26+$0x3710];
	v37 =	vmul.f32 v43, v37;
	v44 =	vmul.f32 v33, v44  }
0x14c: {  	v51 =	vld [tilespmem:s30+$0x3500];
	v26 =	vmul.f32 v27, v60;
	v54 =	vmul.f32 v48, v58  }
0x14d: {  	v20 =	vmul.f32 v20, v29;
	v57 =	vld [tilespmem:s30+$0x3300];
	v37 =	vsub.f32 $2.000000000e+00, v37;
	v56 =	vsub.f32 $2.000000000e+00, v44  }
0x14e: {  	v26 =	vmul.f32 v26, v36;
	v55 =	vld [tilespmem:s30+$0x3310];
	v58 =	vmul.f32 v54, v63  }
0x14f: {  	v23 =	vadd.f32 v23, v24;
	v59 =	vld [tilespmem:s28+$0x3710];
	v37 =	vmul.f32 v37, v43;
	v33 =	vmul.f32 v56, v33  }
0x150: {  	v22 =	vmul.f32 v22, v62;
	v26 =	vadd.f32 v26, v35;
	v24 =	vadd.f32 v58, v49  }
0x151: {  	v61 =	vld [tilespmem:s30+$0x3700];
	v60 =	vmul.f32 v37, v50;
	v62 =	vmul.f32 v33, v51  }
0x152: {  	v19 =	vadd.f32 v19, v23;
	v26 =	vmul.f32 v26, v28;
	v63 =	vld [tilespmem:s30+$0x3710];
	v24 =	vmul.f32 v24, v25  }
0x153: {  	v33 =	vadd.f32 v60, v55;
	v35 =	vadd.f32 v62, v57  }
0x154: {  	v19 =	vadd.f32 v20, v19;
	v39 =	vmul.f32 v26, v30;
	v37 =	vmul.f32 v24, v59  }
0x155: {  	v21 =	vadd.f32 v22, v21;
	v38 =	vmul.f32 v33, v52;
	v40 =	vmul.f32 v35, v53  }
0x156: {  	v19 =	vadd.f32 v39, v19  }
0x157: {  	v21 =	vadd.f32 v37, v21;
	v41 =	vmul.f32 v38, v63;
	v42 =	vmul.f32 v40, v61;
	_ =	sdelay $0x1  }
0x158: {  	v21 =	vadd.f32 v41, v21;
	v19 =	vadd.f32 v42, v19  }
0x159: {  	v2 =	vshll.u32 v2, $0x4  }
0x15a: {  	v43 =	vor.u32 $0x1, v2;
	v19 =	vadd.f32 v21, v19  }
0x15b: {  	v44 =	vor.u32 $0x2, v2  }
0x15c: {  	v45 =	vor.u32 $0x3, v2;
	v3 =	vmul.f32 v19, v3  }
0x15d: {  	v46 =	vor.u32 $0x4, v2;
	v4 =	vmul.f32 v19, v4  }
0x15e: {  	v47 =	vor.u32 $0x5, v2;
	[tilespmem:v2+s21+$0x0] =	vst.idx.add.f32.msk $0xffff, v3;
	v3 =	vmul.f32 v19, v5  }
0x15f: {  	v49 =	vor.u32 $0x6, v2;
	v48 =	vmul.f32 v19, v6;
	[tilespmem:v43+s21+$0x0] =	vst.idx.add.f32.msk $0xffff, v4  }
0x160: {  	v50 =	vor.u32 $0x7, v2;
	[tilespmem:v44+s21+$0x0] =	vst.idx.add.f32.msk $0xffff, v3;
	v3 =	vmul.f32 v19, v7  }
0x161: {  	v52 =	vor.u32 $0x8, v2;
	v51 =	vmul.f32 v19, v8;
	[tilespmem:v45+s21+$0x0] =	vst.idx.add.f32.msk $0xffff, v48  }
0x162: {  	v53 =	vor.u32 $0x9, v2;
	[tilespmem:v46+s21+$0x0] =	vst.idx.add.f32.msk $0xffff, v3;
	v3 =	vmul.f32 v19, v9  }
0x163: {  	v55 =	vor.u32 $0xA, v2;
	v54 =	vmul.f32 v19, v10;
	[tilespmem:v47+s21+$0x0] =	vst.idx.add.f32.msk $0xffff, v51  }
0x164: {  	v56 =	vor.u32 $0xB, v2;
	[tilespmem:v49+s21+$0x0] =	vst.idx.add.f32.msk $0xffff, v3;
	v3 =	vmul.f32 v19, v11  }
0x165: {  	v58 =	vor.u32 $0xC, v2;
	v57 =	vmul.f32 v19, v12;
	[tilespmem:v50+s21+$0x0] =	vst.idx.add.f32.msk $0xffff, v54  }
0x166: {  	v59 =	vor.u32 $0xD, v2;
	[tilespmem:v52+s21+$0x0] =	vst.idx.add.f32.msk $0xffff, v3;
	v3 =	vmul.f32 v19, v13  }
0x167: {  	s25 =	sadd.s32 $0x1, s25;
	v61 =	vor.u32 $0xE, v2;
	v60 =	vmul.f32 v19, v14;
	[tilespmem:v53+s21+$0x0] =	vst.idx.add.f32.msk $0xffff, v57  }
0x168: {  	p0 =	sne.s32 s25, $0x10;
	v2 =	vor.u32 $0xF, v2;
	[tilespmem:v55+s21+$0x0] =	vst.idx.add.f32.msk $0xffff, v3;
	v3 =	vmul.f32 v19, v15  }
.Ltmp2:
0x169: {  	v62 =	vmul.f32 v19, v16;
	[tilespmem:v56+s21+$0x0] =	vst.idx.add.f32.msk $0xffff, v60;
	(pc) =	sbr.rel @p0 .LBB2_2-.Ltmp2, $4  }
0x16a: {  	[tilespmem:v58+s21+$0x0] =	vst.idx.add.f32.msk $0xffff, v3;
	v3 =	vmul.f32 v19, v17  }
0x16b: {  	v63 =	vmul.f32 v19, v18;
	[tilespmem:v59+s21+$0x0] =	vst.idx.add.f32.msk $0xffff, v62  }
0x16c: {  	[tilespmem:v61+s21+$0x0] =	vst.idx.add.f32.msk $0xffff, v3  }
0x16d: {  	[tilespmem:v2+s21+$0x0] =	vst.idx.add.f32.msk $0xffff, v63  }
0x16e: {  	s24 =	sadd.s32 $0x1, s24  }
0x16f: {  	p0 =	sne.s32 s24, s12  }
.Ltmp3:
0x170: {  	_ = 	snop;
	(pc) =	sbr.rel @p0 .LBB2_1-.Ltmp3, $4  }
0x171: {  	[hbm4b:s11+s22] =	stream.strided.scatter [tilespmem:s21], [sflag:$0x1], $0x100, s23, s22, $0x38;
	[tilespmem:$0x3C80] =	vst v63  }
0x172: {  	_ =	swait.ge [sflag:s13], $0x100  }
0x173: {  	[sflag:s13] =	ssyncset.done $0x0  }
0x174: {  	[sflag:s13] =	ssyncadd.s32 $0xFFFFFF00  }
0x175: {  	_ =	sfence.sel $0x180000  }
0x176: {  	[bflag:$0x0] =	sbarrier.arrive $0xFFFF  }
0x177: {  	_ =	strace $0x90000047  }
0x178: {  	s0 =	stileid.u32;
	[bflag:$0x2] =	sbarrier.arrive $0xFFFF  }
0x179: {  	p0 =	sne.s32 s0, $0x0;
	s0 =	rddreg [dreg:$0x2]  }
0x17a: {  	s0 =	sadd.s32 @!p0 $0x100000, s0  }
0x17b: {  	[sflag:s0] =	ssyncadd.tile.s32 @!p0 $0x1;
	_ =	shalt  }
.Lfunc_end2:
_tile_overlayer_lowered:
.L_overlay_start_2:
0x17c: {  	(tag) =	ssettag $0x2  }
0x17d: {  	s0 =	rddreg [dreg:$0x0];
	s2 =	stileid.u32  }
0x17e: {  	s1 =	rddreg [dreg:$0x1];
	p0 =	sne.s32 s2, $0x0  }
0x17f: {  	s3 =	rddreg [dreg:$0x2];
	[bflag:$0x3] =	sbarrier.arrive $0xFFFF;
	s2 =	simm.s32 @!p0 $0x1C01  }
0x180: {  	[timem:s3], [sflag:s2] =	dma.local @!p0 [hbm:s0], s1  }
0x181: {  	s0 =	simm.s32 @!p0 $0x1  }
0x182: {  	_ =	swait.ge @!p0 [sflag:s0], s1  }
0x183: {  	s1 =	ssub.s32 @!p0 $0x0, s1;
	[sflag:s0] =	ssyncset.done @!p0 $0x0  }
0x184: {  	[sflag:s0] =	ssyncadd.s32 @!p0 s1  }
0x185: {  	[bflag:$0x3] =	sbarrier.arrive $0xFFFF  }
0x186: {  	_ =	shalt  }

</sc_bundles>
